<compile_context>
chip_gen: v7x
topology: tpu7x:2x2x1
jax: 0.10.2.dev20260603
libtpu: 0.0.44.dev20260713+nightly
codegen_flags: <defaults>
</compile_context>

<pallas_src>
import functools

import jax
import jax.numpy as jnp
from jax import lax
from jax.experimental import pallas as pl
from jax.experimental.pallas import tpu as pltpu
from jax.experimental.pallas import tpu_sc as plsc

BS, C, NUM_IMG, H, W = 32, 128, 8, 16, 16
P = NUM_IMG * H * W
HP = P // 2
K = 128
FEAT_DIM, NODE_DIM = 128, 64

_NC, _NS = 2, 16


MBA = 8
MBC = 16


def _hidden_body(fm_ref, w1lo_ref, w1hi_ref, b1s_ref, out_ref):
    for j in range(MBA):
        fm = fm_ref[j]
        fa = fm[:, :HP]
        fb = fm[:, HP:]
        lo = lax.dot_general(fa, w1lo_ref[...], (((0,), (0,)), ((), ())),
                             preferred_element_type=jnp.float32)
        hi = lax.dot_general(fb, w1hi_ref[...], (((0,), (0,)), ((), ())),
                             preferred_element_type=jnp.float32)
        out_ref[j] = jnp.maximum(lo + hi + b1s_ref[...], 0.0)


@functools.lru_cache(maxsize=1)
def _make_gather():
    mesh = plsc.VectorSubcoreMesh(core_axis_name="c", subcore_axis_name="s",
                                  num_cores=_NC, num_subcores=_NS)

    @functools.partial(
        pl.kernel, mesh=mesh,
        out_type=jax.ShapeDtypeStruct((BS * K, 2 * NODE_DIM), jnp.float32),
        scratch_types=[
            pltpu.VMEM((K,), jnp.float32),
            pltpu.VMEM((K,), jnp.float32),
            pltpu.VMEM((K,), jnp.float32),
            pltpu.VMEM((K,), jnp.int32),
            pltpu.VMEM((K, 2 * NODE_DIM), jnp.float32),
            pltpu.SemaphoreType.DMA,
        ],
    )
    def gather_k(pp_hbm, table_hbm, out_hbm, v_v, r_v, c_v, idx_v, rows_v,
                 sem):
        w = lax.axis_index("s") * _NC + lax.axis_index("c")
        base = w * K
        pltpu.sync_copy(pp_hbm.at[pl.ds(base, K)], v_v)
        pltpu.sync_copy(pp_hbm.at[pl.ds(BS * K + base, K)], r_v)
        pltpu.sync_copy(pp_hbm.at[pl.ds(2 * BS * K + base, K)], c_v)
        for i in range(K // 16):
            s = pl.ds(i * 16, 16)
            vi = jnp.clip(v_v[s], 0.0, float(NUM_IMG - 1)).astype(jnp.int32)
            ri = jnp.clip(r_v[s], 0.0, float(H - 1)).astype(jnp.int32)
            ci = jnp.clip(c_v[s], 0.0, float(W - 1)).astype(jnp.int32)
            t = vi * (H * W) + ri * W + ci
            idx_v[s] = w * HP + jnp.bitwise_and(t, HP - 1)
        pltpu.async_copy(table_hbm.at[idx_v], rows_v, sem).wait()
        pltpu.sync_copy(rows_v, out_hbm.at[pl.ds(base, K)])

    return gather_k


def _out_body(g_ref, vcol_ref, w2_ref, b2_ref, out_ref):
    n = MBC * K
    vi = jnp.clip(vcol_ref[...].astype(jnp.int32), 0, NUM_IMG - 1)
    sel = jnp.where(vi >= NUM_IMG // 2, 1, 0)
    g = g_ref[...]
    col = lax.broadcasted_iota(jnp.int32, (n, 2 * NODE_DIM), 1)
    half = jnp.where(col < NODE_DIM, 0, 1)
    gm = jnp.where(half == sel, g, 0.0)
    w2s = jnp.concatenate([w2_ref[...], w2_ref[...]], axis=0)
    emb = lax.dot_general(gm, w2s, (((1,), (0,)), ((), ())),
                          preferred_element_type=jnp.float32) + b2_ref[...]
    norm = jnp.maximum(jnp.sqrt(jnp.sum(emb * emb, axis=-1, keepdims=True)),
                       1e-12)
    out_ref[...] = emb / norm


def kernel(feature_map, peak_positions, W1, b1, W2, b2):
    fm = feature_map.reshape(BS, C, P)
    zeros = jnp.zeros_like(W1)
    w1lo = jnp.concatenate([W1, zeros], axis=1)
    w1hi = jnp.concatenate([zeros, W1], axis=1)
    b1s = jnp.concatenate([b1, b1]).reshape(1, 2 * NODE_DIM)
    b2r = b2.reshape(1, NODE_DIM)

    table = pl.pallas_call(
        _hidden_body,
        grid=(BS // MBA,),
        in_specs=[
            pl.BlockSpec((MBA, C, P), lambda b: (b, 0, 0)),
            pl.BlockSpec((FEAT_DIM, 2 * NODE_DIM), lambda b: (0, 0)),
            pl.BlockSpec((FEAT_DIM, 2 * NODE_DIM), lambda b: (0, 0)),
            pl.BlockSpec((1, 2 * NODE_DIM), lambda b: (0, 0)),
        ],
        out_specs=pl.BlockSpec((MBA, HP, 2 * NODE_DIM), lambda b: (b, 0, 0)),
        out_shape=jax.ShapeDtypeStruct((BS, HP, 2 * NODE_DIM), jnp.float32),
    )(fm, w1lo, w1hi, b1s)

    pp = jnp.transpose(peak_positions, (2, 0, 1)).reshape(3 * BS * K)
    gathered = _make_gather()(pp, table.reshape(BS * HP, 2 * NODE_DIM))

    vcol = peak_positions[:, :, 0].reshape(BS * K, 1)
    out = pl.pallas_call(
        _out_body,
        grid=(BS // MBC,),
        in_specs=[
            pl.BlockSpec((MBC * K, 2 * NODE_DIM), lambda b: (b, 0)),
            pl.BlockSpec((MBC * K, 1), lambda b: (b, 0)),
            pl.BlockSpec((NODE_DIM, NODE_DIM), lambda b: (0, 0)),
            pl.BlockSpec((1, NODE_DIM), lambda b: (0, 0)),
        ],
        out_specs=pl.BlockSpec((MBC * K, NODE_DIM), lambda b: (b, 0)),
        out_shape=jax.ShapeDtypeStruct((BS * K, NODE_DIM), jnp.float32),
    )(gathered, vcol, W2, b2r)
    return out.reshape(BS, K, NODE_DIM)

# --- scband reference (transcript-rebuilt; emitter-appended) ---
"""Pipeline reference for scband-peak-node-embedding-fast-69063074120420 (READ-ONLY COPY).

The authoritative reference and input builder live on the scoring server;
editing this copy changes nothing except your own understanding.
"""

import jax, jax.numpy as jnp
import numpy as np

BS, C, NUM_IMG, H, W = 32, 128, 8, 16, 16
K = 128
FEAT_DIM, NODE_DIM = 128, 64


def setup_inputs(seed: int = 0) -> dict:
    key = jax.random.key(seed)
    k1, k2, k3, k4, k5, k6 = jax.random.split(key, 6)
    feature_map = jax.random.normal(k1, (BS, C, NUM_IMG, H, W), dtype=jnp.float32)
    peak_positions = jax.random.randint(k2, (BS, K, 3), 0, 8).astype(jnp.float32)
    W1 = jax.random.normal(k3, (FEAT_DIM, NODE_DIM), dtype=jnp.float32) * (1.0 / np.sqrt(FEAT_DIM))
    b1 = jnp.zeros((NODE_DIM,), dtype=jnp.float32)
    W2 = jax.random.normal(k4, (NODE_DIM, NODE_DIM), dtype=jnp.float32) * (1.0 / np.sqrt(NODE_DIM))
    b2 = jnp.zeros((NODE_DIM,), dtype=jnp.float32)
    return {"feature_map": feature_map, "peak_positions": peak_positions, "W1": W1, "b1": b1, "W2": W2, "b2": b2}


def reference(feature_map, peak_positions, W1, b1, W2, b2):
    bs, c, num_img, h, w = feature_map.shape
    k = peak_positions.shape[1]
    view_idx = jnp.clip(peak_positions[:, :, 0].astype(jnp.int32), 0, num_img - 1)
    row_idx = jnp.clip(peak_positions[:, :, 1].astype(jnp.int32), 0, h - 1)
    col_idx = jnp.clip(peak_positions[:, :, 2].astype(jnp.int32), 0, w - 1)
    batch_idx = jnp.broadcast_to(jnp.arange(bs)[:, None], (bs, k))
    fm = jnp.transpose(feature_map, (0, 2, 3, 4, 1))  # [bs, num_img, H, W, C]
    peak_feats = fm[batch_idx, view_idx, row_idx, col_idx]  # [bs, k, C] gather
    hdn = jnp.maximum(peak_feats @ W1 + b1, 0.0)
    node_embeds = hdn @ W2 + b2
    norm = jnp.maximum(jnp.sqrt(jnp.sum(node_embeds * node_embeds, axis=-1, keepdims=True)), 1e-12)
    return node_embeds / norm

if __name__ == "__main__":
    import jax
    _d = setup_inputs()
    print(jax.jit(kernel)(*tuple(_d.values())))

</pallas_src>

<mosaic_0001>
#map = affine_map<(d0, d1) -> (0)>
#map1 = affine_map<(d0, d1) -> (0, 0)>
module attributes {stable_mosaic.version = 14 : i64} {
  func.func @gather_k(%arg0: i32, %arg1: i32, %arg2: memref<12288xf32, #tpu.memory_space<hbm>>, %arg3: memref<32768x128xf32, #tpu.memory_space<hbm>>, %arg4: memref<4096x128xf32, #tpu.memory_space<hbm>>, %arg5: memref<128xf32, #tpu.memory_space<vmem>>, %arg6: memref<128xf32, #tpu.memory_space<vmem>>, %arg7: memref<128xf32, #tpu.memory_space<vmem>>, %arg8: memref<128xi32, #tpu.memory_space<vmem>>, %arg9: memref<128x128xf32, #tpu.memory_space<vmem>>, %arg10: memref<!tpu.dma_semaphore, #tpu.memory_space<semaphore_mem>>) attributes {dimension_semantics = [#tpu.dimension_semantics<core_parallel>, #tpu.dimension_semantics<subcore_parallel>], iteration_bounds = array<i64: 2, 16>, scalar_prefetch = 0 : i64, scratch_operands = 6 : i64, tpu.core_type = #tpu.core_type<sc_vector_subcore>, window_params = [{transform_indices = #map}, {transform_indices = #map1}, {transform_indices = #map1}]} {
    %mul3A = arith.constant 2 : i32
    %mul3A_0 = arith.muli %arg1, %mul3A : i32
    %add3A = arith.addi %mul3A_0, %arg0 : i32
    %mul3A_1 = arith.constant 128 : i32
    %mul3A_2 = arith.muli %add3A, %mul3A_1 : i32
    "tpu.region"() ({
      %run_scoped3A = tpu.sem_alloc : memref<!tpu.dma_semaphore, #tpu.memory_space<semaphore_mem>>
      %dma_start3A_396 = tpu.memref_slice %arg2[%mul3A_2] : memref<12288xf32, #tpu.memory_space<hbm>> -> memref<128xf32, #tpu.memory_space<hbm>>
      %dma_start3A_397 = tpu.memref_slice %arg2[%mul3A_2] : memref<12288xf32, #tpu.memory_space<hbm>> -> memref<128xf32, #tpu.memory_space<hbm>>
      tpu.enqueue_dma source(%dma_start3A_397 : memref<128xf32, #tpu.memory_space<hbm>>) target(%arg5 : memref<128xf32, #tpu.memory_space<vmem>>) target_semaphore(%run_scoped3A : memref<!tpu.dma_semaphore, #tpu.memory_space<semaphore_mem>>)
      %dma_wait3A_398 = tpu.memref_slice %arg2[%mul3A_2] : memref<12288xf32, #tpu.memory_space<hbm>> -> memref<128xf32, #tpu.memory_space<hbm>>
      %dma_wait3A_399 = tpu.memref_slice %arg2[%mul3A_2] : memref<12288xf32, #tpu.memory_space<hbm>> -> memref<128xf32, #tpu.memory_space<hbm>>
      tpu.wait_dma2 semaphore(%run_scoped3A : memref<!tpu.dma_semaphore, #tpu.memory_space<semaphore_mem>>) src(%dma_wait3A_399 : memref<128xf32, #tpu.memory_space<hbm>>) dst(%arg5 : memref<128xf32, #tpu.memory_space<vmem>>)
      tpu.yield
    }) : () -> ()
    %add3A_3 = arith.constant 4096 : i32
    %add3A_4 = arith.addi %add3A_3, %mul3A_2 : i32
    "tpu.region"() ({
      %run_scoped3A = tpu.sem_alloc : memref<!tpu.dma_semaphore, #tpu.memory_space<semaphore_mem>>
      %dma_start3A_396 = tpu.memref_slice %arg2[%add3A_4] : memref<12288xf32, #tpu.memory_space<hbm>> -> memref<128xf32, #tpu.memory_space<hbm>>
      %dma_start3A_397 = tpu.memref_slice %arg2[%add3A_4] : memref<12288xf32, #tpu.memory_space<hbm>> -> memref<128xf32, #tpu.memory_space<hbm>>
      tpu.enqueue_dma source(%dma_start3A_397 : memref<128xf32, #tpu.memory_space<hbm>>) target(%arg6 : memref<128xf32, #tpu.memory_space<vmem>>) target_semaphore(%run_scoped3A : memref<!tpu.dma_semaphore, #tpu.memory_space<semaphore_mem>>)
      %dma_wait3A_398 = tpu.memref_slice %arg2[%add3A_4] : memref<12288xf32, #tpu.memory_space<hbm>> -> memref<128xf32, #tpu.memory_space<hbm>>
      %dma_wait3A_399 = tpu.memref_slice %arg2[%add3A_4] : memref<12288xf32, #tpu.memory_space<hbm>> -> memref<128xf32, #tpu.memory_space<hbm>>
      tpu.wait_dma2 semaphore(%run_scoped3A : memref<!tpu.dma_semaphore, #tpu.memory_space<semaphore_mem>>) src(%dma_wait3A_399 : memref<128xf32, #tpu.memory_space<hbm>>) dst(%arg6 : memref<128xf32, #tpu.memory_space<vmem>>)
      tpu.yield
    }) : () -> ()
    %add3A_5 = arith.constant 8192 : i32
    %add3A_6 = arith.addi %add3A_5, %mul3A_2 : i32
    "tpu.region"() ({
      %run_scoped3A = tpu.sem_alloc : memref<!tpu.dma_semaphore, #tpu.memory_space<semaphore_mem>>
      %dma_start3A_396 = tpu.memref_slice %arg2[%add3A_6] : memref<12288xf32, #tpu.memory_space<hbm>> -> memref<128xf32, #tpu.memory_space<hbm>>
      %dma_start3A_397 = tpu.memref_slice %arg2[%add3A_6] : memref<12288xf32, #tpu.memory_space<hbm>> -> memref<128xf32, #tpu.memory_space<hbm>>
      tpu.enqueue_dma source(%dma_start3A_397 : memref<128xf32, #tpu.memory_space<hbm>>) target(%arg7 : memref<128xf32, #tpu.memory_space<vmem>>) target_semaphore(%run_scoped3A : memref<!tpu.dma_semaphore, #tpu.memory_space<semaphore_mem>>)
      %dma_wait3A_398 = tpu.memref_slice %arg2[%add3A_6] : memref<12288xf32, #tpu.memory_space<hbm>> -> memref<128xf32, #tpu.memory_space<hbm>>
      %dma_wait3A_399 = tpu.memref_slice %arg2[%add3A_6] : memref<12288xf32, #tpu.memory_space<hbm>> -> memref<128xf32, #tpu.memory_space<hbm>>
      tpu.wait_dma2 semaphore(%run_scoped3A : memref<!tpu.dma_semaphore, #tpu.memory_space<semaphore_mem>>) src(%dma_wait3A_399 : memref<128xf32, #tpu.memory_space<hbm>>) dst(%arg7 : memref<128xf32, #tpu.memory_space<vmem>>)
      tpu.yield
    }) : () -> ()
    %get3A = arith.constant 0 : index
    %get3A_7 = tpu.vector_load %arg5[%get3A] {strides = array<i32>} : memref<128xf32, #tpu.memory_space<vmem>>, vector<16xf32>,
    %get3A_8 = vector.shape_cast %get3A_7 : vector<16xf32> to vector<16xf32>
    %jit3A = arith.constant 0.000000e+00 : f32
    %jit3A_9 = arith.constant 7.000000e+00 : f32
    %max3A = vector.broadcast %jit3A : f32 to vector<16xf32>
    %max3A_10 = arith.maximumf %max3A, %get3A_8 : vector<16xf32>
    %min3A = vector.broadcast %jit3A_9 : f32 to vector<16xf32>
    %min3A_11 = arith.minimumf %min3A, %max3A_10 : vector<16xf32>
    %convert_element_type3A = arith.fptosi %min3A_11 : vector<16xf32> to vector<16xi32>
    %get3A_12 = arith.constant 0 : index
    %get3A_13 = tpu.vector_load %arg6[%get3A_12] {strides = array<i32>} : memref<128xf32, #tpu.memory_space<vmem>>, vector<16xf32>,
    %get3A_14 = vector.shape_cast %get3A_13 : vector<16xf32> to vector<16xf32>
    %jit3A_15 = arith.constant 0.000000e+00 : f32
    %jit3A_16 = arith.constant 1.500000e+01 : f32
    %max3A_17 = vector.broadcast %jit3A_15 : f32 to vector<16xf32>
    %max3A_18 = arith.maximumf %max3A_17, %get3A_14 : vector<16xf32>
    %min3A_19 = vector.broadcast %jit3A_16 : f32 to vector<16xf32>
    %min3A_20 = arith.minimumf %min3A_19, %max3A_18 : vector<16xf32>
    %convert_element_type3A_21 = arith.fptosi %min3A_20 : vector<16xf32> to vector<16xi32>
    %get3A_22 = arith.constant 0 : index
    %get3A_23 = tpu.vector_load %arg7[%get3A_22] {strides = array<i32>} : memref<128xf32, #tpu.memory_space<vmem>>, vector<16xf32>,
    %get3A_24 = vector.shape_cast %get3A_23 : vector<16xf32> to vector<16xf32>
    %jit3A_25 = arith.constant 0.000000e+00 : f32
    %jit3A_26 = arith.constant 1.500000e+01 : f32
    %max3A_27 = vector.broadcast %jit3A_25 : f32 to vector<16xf32>
    %max3A_28 = arith.maximumf %max3A_27, %get3A_24 : vector<16xf32>
    %min3A_29 = vector.broadcast %jit3A_26 : f32 to vector<16xf32>
    %min3A_30 = arith.minimumf %min3A_29, %max3A_28 : vector<16xf32>
    %convert_element_type3A_31 = arith.fptosi %min3A_30 : vector<16xf32> to vector<16xi32>
    %mul3A_32 = arith.constant 256 : i32
    %mul3A_33 = vector.broadcast %mul3A_32 : i32 to vector<16xi32>
    %mul3A_34 = arith.muli %convert_element_type3A, %mul3A_33 : vector<16xi32>
    %mul3A_35 = arith.constant 16 : i32
    %mul3A_36 = vector.broadcast %mul3A_35 : i32 to vector<16xi32>
    %mul3A_37 = arith.muli %convert_element_type3A_21, %mul3A_36 : vector<16xi32>
    %add3A_38 = arith.addi %mul3A_34, %mul3A_37 : vector<16xi32>
    %add3A_39 = arith.addi %add3A_38, %convert_element_type3A_31 : vector<16xi32>
    %mul3A_40 = arith.constant 1024 : i32
    %mul3A_41 = arith.muli %add3A, %mul3A_40 : i32
    %and3A = arith.constant 1023 : i32
    %and3A_42 = vector.broadcast %and3A : i32 to vector<16xi32>
    %and3A_43 = arith.andi %add3A_39, %and3A_42 : vector<16xi32>
    %add3A_44 = vector.broadcast %mul3A_41 : i32 to vector<16xi32>
    %add3A_45 = arith.addi %add3A_44, %and3A_43 : vector<16xi32>
    %swap3A = arith.constant 0 : index
    %swap3A_46 = tpu.vector_load %arg8[%swap3A] {strides = array<i32>} : memref<128xi32, #tpu.memory_space<vmem>>, vector<16xi32>,
    %swap3A_47 = vector.shape_cast %swap3A_46 : vector<16xi32> to vector<16xi32>
    %swap3A_48 = vector.shape_cast %add3A_45 : vector<16xi32> to vector<16xi32>
    tpu.vector_store %arg8[%swap3A], %swap3A_48 {strides = array<i32>} : memref<128xi32, #tpu.memory_space<vmem>>, vector<16xi32>,
    %get3A_49 = arith.constant 16 : index
    %get3A_50 = tpu.vector_load %arg5[%get3A_49] {strides = array<i32>} : memref<128xf32, #tpu.memory_space<vmem>>, vector<16xf32>,
    %get3A_51 = vector.shape_cast %get3A_50 : vector<16xf32> to vector<16xf32>
    %jit3A_52 = arith.constant 0.000000e+00 : f32
    %jit3A_53 = arith.constant 7.000000e+00 : f32
    %max3A_54 = vector.broadcast %jit3A_52 : f32 to vector<16xf32>
    %max3A_55 = arith.maximumf %max3A_54, %get3A_51 : vector<16xf32>
    %min3A_56 = vector.broadcast %jit3A_53 : f32 to vector<16xf32>
    %min3A_57 = arith.minimumf %min3A_56, %max3A_55 : vector<16xf32>
    %convert_element_type3A_58 = arith.fptosi %min3A_57 : vector<16xf32> to vector<16xi32>
    %get3A_59 = arith.constant 16 : index
    %get3A_60 = tpu.vector_load %arg6[%get3A_59] {strides = array<i32>} : memref<128xf32, #tpu.memory_space<vmem>>, vector<16xf32>,
    %get3A_61 = vector.shape_cast %get3A_60 : vector<16xf32> to vector<16xf32>
    %jit3A_62 = arith.constant 0.000000e+00 : f32
    %jit3A_63 = arith.constant 1.500000e+01 : f32
    %max3A_64 = vector.broadcast %jit3A_62 : f32 to vector<16xf32>
    %max3A_65 = arith.maximumf %max3A_64, %get3A_61 : vector<16xf32>
    %min3A_66 = vector.broadcast %jit3A_63 : f32 to vector<16xf32>
    %min3A_67 = arith.minimumf %min3A_66, %max3A_65 : vector<16xf32>
    %convert_element_type3A_68 = arith.fptosi %min3A_67 : vector<16xf32> to vector<16xi32>
    %get3A_69 = arith.constant 16 : index
    %get3A_70 = tpu.vector_load %arg7[%get3A_69] {strides = array<i32>} : memref<128xf32, #tpu.memory_space<vmem>>, vector<16xf32>,
    %get3A_71 = vector.shape_cast %get3A_70 : vector<16xf32> to vector<16xf32>
    %jit3A_72 = arith.constant 0.000000e+00 : f32
    %jit3A_73 = arith.constant 1.500000e+01 : f32
    %max3A_74 = vector.broadcast %jit3A_72 : f32 to vector<16xf32>
    %max3A_75 = arith.maximumf %max3A_74, %get3A_71 : vector<16xf32>
    %min3A_76 = vector.broadcast %jit3A_73 : f32 to vector<16xf32>
    %min3A_77 = arith.minimumf %min3A_76, %max3A_75 : vector<16xf32>
    %convert_element_type3A_78 = arith.fptosi %min3A_77 : vector<16xf32> to vector<16xi32>
    %mul3A_79 = arith.constant 256 : i32
    %mul3A_80 = vector.broadcast %mul3A_79 : i32 to vector<16xi32>
    %mul3A_81 = arith.muli %convert_element_type3A_58, %mul3A_80 : vector<16xi32>
    %mul3A_82 = arith.constant 16 : i32
    %mul3A_83 = vector.broadcast %mul3A_82 : i32 to vector<16xi32>
    %mul3A_84 = arith.muli %convert_element_type3A_68, %mul3A_83 : vector<16xi32>
    %add3A_85 = arith.addi %mul3A_81, %mul3A_84 : vector<16xi32>
    %add3A_86 = arith.addi %add3A_85, %convert_element_type3A_78 : vector<16xi32>
    %mul3A_87 = arith.constant 1024 : i32
    %mul3A_88 = arith.muli %add3A, %mul3A_87 : i32
    %and3A_89 = arith.constant 1023 : i32
    %and3A_90 = vector.broadcast %and3A_89 : i32 to vector<16xi32>
    %and3A_91 = arith.andi %add3A_86, %and3A_90 : vector<16xi32>
    %add3A_92 = vector.broadcast %mul3A_88 : i32 to vector<16xi32>
    %add3A_93 = arith.addi %add3A_92, %and3A_91 : vector<16xi32>
    %swap3A_94 = arith.constant 16 : index
    %swap3A_95 = tpu.vector_load %arg8[%swap3A_94] {strides = array<i32>} : memref<128xi32, #tpu.memory_space<vmem>>, vector<16xi32>,
    %swap3A_96 = vector.shape_cast %swap3A_95 : vector<16xi32> to vector<16xi32>
    %swap3A_97 = vector.shape_cast %add3A_93 : vector<16xi32> to vector<16xi32>
    tpu.vector_store %arg8[%swap3A_94], %swap3A_97 {strides = array<i32>} : memref<128xi32, #tpu.memory_space<vmem>>, vector<16xi32>,
    %get3A_98 = arith.constant 32 : index
    %get3A_99 = tpu.vector_load %arg5[%get3A_98] {strides = array<i32>} : memref<128xf32, #tpu.memory_space<vmem>>, vector<16xf32>,
    %get3A_100 = vector.shape_cast %get3A_99 : vector<16xf32> to vector<16xf32>
    %jit3A_101 = arith.constant 0.000000e+00 : f32
    %jit3A_102 = arith.constant 7.000000e+00 : f32
    %max3A_103 = vector.broadcast %jit3A_101 : f32 to vector<16xf32>
    %max3A_104 = arith.maximumf %max3A_103, %get3A_100 : vector<16xf32>
    %min3A_105 = vector.broadcast %jit3A_102 : f32 to vector<16xf32>
    %min3A_106 = arith.minimumf %min3A_105, %max3A_104 : vector<16xf32>
    %convert_element_type3A_107 = arith.fptosi %min3A_106 : vector<16xf32> to vector<16xi32>
    %get3A_108 = arith.constant 32 : index
    %get3A_109 = tpu.vector_load %arg6[%get3A_108] {strides = array<i32>} : memref<128xf32, #tpu.memory_space<vmem>>, vector<16xf32>,
    %get3A_110 = vector.shape_cast %get3A_109 : vector<16xf32> to vector<16xf32>
    %jit3A_111 = arith.constant 0.000000e+00 : f32
    %jit3A_112 = arith.constant 1.500000e+01 : f32
    %max3A_113 = vector.broadcast %jit3A_111 : f32 to vector<16xf32>
    %max3A_114 = arith.maximumf %max3A_113, %get3A_110 : vector<16xf32>
    %min3A_115 = vector.broadcast %jit3A_112 : f32 to vector<16xf32>
    %min3A_116 = arith.minimumf %min3A_115, %max3A_114 : vector<16xf32>
    %convert_element_type3A_117 = arith.fptosi %min3A_116 : vector<16xf32> to vector<16xi32>
    %get3A_118 = arith.constant 32 : index
    %get3A_119 = tpu.vector_load %arg7[%get3A_118] {strides = array<i32>} : memref<128xf32, #tpu.memory_space<vmem>>, vector<16xf32>,
    %get3A_120 = vector.shape_cast %get3A_119 : vector<16xf32> to vector<16xf32>
    %jit3A_121 = arith.constant 0.000000e+00 : f32
    %jit3A_122 = arith.constant 1.500000e+01 : f32
    %max3A_123 = vector.broadcast %jit3A_121 : f32 to vector<16xf32>
    %max3A_124 = arith.maximumf %max3A_123, %get3A_120 : vector<16xf32>
    %min3A_125 = vector.broadcast %jit3A_122 : f32 to vector<16xf32>
    %min3A_126 = arith.minimumf %min3A_125, %max3A_124 : vector<16xf32>
    %convert_element_type3A_127 = arith.fptosi %min3A_126 : vector<16xf32> to vector<16xi32>
    %mul3A_128 = arith.constant 256 : i32
    %mul3A_129 = vector.broadcast %mul3A_128 : i32 to vector<16xi32>
    %mul3A_130 = arith.muli %convert_element_type3A_107, %mul3A_129 : vector<16xi32>
    %mul3A_131 = arith.constant 16 : i32
    %mul3A_132 = vector.broadcast %mul3A_131 : i32 to vector<16xi32>
    %mul3A_133 = arith.muli %convert_element_type3A_117, %mul3A_132 : vector<16xi32>
    %add3A_134 = arith.addi %mul3A_130, %mul3A_133 : vector<16xi32>
    %add3A_135 = arith.addi %add3A_134, %convert_element_type3A_127 : vector<16xi32>
    %mul3A_136 = arith.constant 1024 : i32
    %mul3A_137 = arith.muli %add3A, %mul3A_136 : i32
    %and3A_138 = arith.constant 1023 : i32
    %and3A_139 = vector.broadcast %and3A_138 : i32 to vector<16xi32>
    %and3A_140 = arith.andi %add3A_135, %and3A_139 : vector<16xi32>
    %add3A_141 = vector.broadcast %mul3A_137 : i32 to vector<16xi32>
    %add3A_142 = arith.addi %add3A_141, %and3A_140 : vector<16xi32>
    %swap3A_143 = arith.constant 32 : index
    %swap3A_144 = tpu.vector_load %arg8[%swap3A_143] {strides = array<i32>} : memref<128xi32, #tpu.memory_space<vmem>>, vector<16xi32>,
    %swap3A_145 = vector.shape_cast %swap3A_144 : vector<16xi32> to vector<16xi32>
    %swap3A_146 = vector.shape_cast %add3A_142 : vector<16xi32> to vector<16xi32>
    tpu.vector_store %arg8[%swap3A_143], %swap3A_146 {strides = array<i32>} : memref<128xi32, #tpu.memory_space<vmem>>, vector<16xi32>,
    %get3A_147 = arith.constant 48 : index
    %get3A_148 = tpu.vector_load %arg5[%get3A_147] {strides = array<i32>} : memref<128xf32, #tpu.memory_space<vmem>>, vector<16xf32>,
    %get3A_149 = vector.shape_cast %get3A_148 : vector<16xf32> to vector<16xf32>
    %jit3A_150 = arith.constant 0.000000e+00 : f32
    %jit3A_151 = arith.constant 7.000000e+00 : f32
    %max3A_152 = vector.broadcast %jit3A_150 : f32 to vector<16xf32>
    %max3A_153 = arith.maximumf %max3A_152, %get3A_149 : vector<16xf32>
    %min3A_154 = vector.broadcast %jit3A_151 : f32 to vector<16xf32>
    %min3A_155 = arith.minimumf %min3A_154, %max3A_153 : vector<16xf32>
    %convert_element_type3A_156 = arith.fptosi %min3A_155 : vector<16xf32> to vector<16xi32>
    %get3A_157 = arith.constant 48 : index
    %get3A_158 = tpu.vector_load %arg6[%get3A_157] {strides = array<i32>} : memref<128xf32, #tpu.memory_space<vmem>>, vector<16xf32>,
    %get3A_159 = vector.shape_cast %get3A_158 : vector<16xf32> to vector<16xf32>
    %jit3A_160 = arith.constant 0.000000e+00 : f32
    %jit3A_161 = arith.constant 1.500000e+01 : f32
    %max3A_162 = vector.broadcast %jit3A_160 : f32 to vector<16xf32>
    %max3A_163 = arith.maximumf %max3A_162, %get3A_159 : vector<16xf32>
    %min3A_164 = vector.broadcast %jit3A_161 : f32 to vector<16xf32>
    %min3A_165 = arith.minimumf %min3A_164, %max3A_163 : vector<16xf32>
    %convert_element_type3A_166 = arith.fptosi %min3A_165 : vector<16xf32> to vector<16xi32>
    %get3A_167 = arith.constant 48 : index
    %get3A_168 = tpu.vector_load %arg7[%get3A_167] {strides = array<i32>} : memref<128xf32, #tpu.memory_space<vmem>>, vector<16xf32>,
    %get3A_169 = vector.shape_cast %get3A_168 : vector<16xf32> to vector<16xf32>
    %jit3A_170 = arith.constant 0.000000e+00 : f32
    %jit3A_171 = arith.constant 1.500000e+01 : f32
    %max3A_172 = vector.broadcast %jit3A_170 : f32 to vector<16xf32>
    %max3A_173 = arith.maximumf %max3A_172, %get3A_169 : vector<16xf32>
    %min3A_174 = vector.broadcast %jit3A_171 : f32 to vector<16xf32>
    %min3A_175 = arith.minimumf %min3A_174, %max3A_173 : vector<16xf32>
    %convert_element_type3A_176 = arith.fptosi %min3A_175 : vector<16xf32> to vector<16xi32>
    %mul3A_177 = arith.constant 256 : i32
    %mul3A_178 = vector.broadcast %mul3A_177 : i32 to vector<16xi32>
    %mul3A_179 = arith.muli %convert_element_type3A_156, %mul3A_178 : vector<16xi32>
    %mul3A_180 = arith.constant 16 : i32
    %mul3A_181 = vector.broadcast %mul3A_180 : i32 to vector<16xi32>
    %mul3A_182 = arith.muli %convert_element_type3A_166, %mul3A_181 : vector<16xi32>
    %add3A_183 = arith.addi %mul3A_179, %mul3A_182 : vector<16xi32>
    %add3A_184 = arith.addi %add3A_183, %convert_element_type3A_176 : vector<16xi32>
    %mul3A_185 = arith.constant 1024 : i32
    %mul3A_186 = arith.muli %add3A, %mul3A_185 : i32
    %and3A_187 = arith.constant 1023 : i32
    %and3A_188 = vector.broadcast %and3A_187 : i32 to vector<16xi32>
    %and3A_189 = arith.andi %add3A_184, %and3A_188 : vector<16xi32>
    %add3A_190 = vector.broadcast %mul3A_186 : i32 to vector<16xi32>
    %add3A_191 = arith.addi %add3A_190, %and3A_189 : vector<16xi32>
    %swap3A_192 = arith.constant 48 : index
    %swap3A_193 = tpu.vector_load %arg8[%swap3A_192] {strides = array<i32>} : memref<128xi32, #tpu.memory_space<vmem>>, vector<16xi32>,
    %swap3A_194 = vector.shape_cast %swap3A_193 : vector<16xi32> to vector<16xi32>
    %swap3A_195 = vector.shape_cast %add3A_191 : vector<16xi32> to vector<16xi32>
    tpu.vector_store %arg8[%swap3A_192], %swap3A_195 {strides = array<i32>} : memref<128xi32, #tpu.memory_space<vmem>>, vector<16xi32>,
    %get3A_196 = arith.constant 64 : index
    %get3A_197 = tpu.vector_load %arg5[%get3A_196] {strides = array<i32>} : memref<128xf32, #tpu.memory_space<vmem>>, vector<16xf32>,
    %get3A_198 = vector.shape_cast %get3A_197 : vector<16xf32> to vector<16xf32>
    %jit3A_199 = arith.constant 0.000000e+00 : f32
    %jit3A_200 = arith.constant 7.000000e+00 : f32
    %max3A_201 = vector.broadcast %jit3A_199 : f32 to vector<16xf32>
    %max3A_202 = arith.maximumf %max3A_201, %get3A_198 : vector<16xf32>
    %min3A_203 = vector.broadcast %jit3A_200 : f32 to vector<16xf32>
    %min3A_204 = arith.minimumf %min3A_203, %max3A_202 : vector<16xf32>
    %convert_element_type3A_205 = arith.fptosi %min3A_204 : vector<16xf32> to vector<16xi32>
    %get3A_206 = arith.constant 64 : index
    %get3A_207 = tpu.vector_load %arg6[%get3A_206] {strides = array<i32>} : memref<128xf32, #tpu.memory_space<vmem>>, vector<16xf32>,
    %get3A_208 = vector.shape_cast %get3A_207 : vector<16xf32> to vector<16xf32>
    %jit3A_209 = arith.constant 0.000000e+00 : f32
    %jit3A_210 = arith.constant 1.500000e+01 : f32
    %max3A_211 = vector.broadcast %jit3A_209 : f32 to vector<16xf32>
    %max3A_212 = arith.maximumf %max3A_211, %get3A_208 : vector<16xf32>
    %min3A_213 = vector.broadcast %jit3A_210 : f32 to vector<16xf32>
    %min3A_214 = arith.minimumf %min3A_213, %max3A_212 : vector<16xf32>
    %convert_element_type3A_215 = arith.fptosi %min3A_214 : vector<16xf32> to vector<16xi32>
    %get3A_216 = arith.constant 64 : index
    %get3A_217 = tpu.vector_load %arg7[%get3A_216] {strides = array<i32>} : memref<128xf32, #tpu.memory_space<vmem>>, vector<16xf32>,
    %get3A_218 = vector.shape_cast %get3A_217 : vector<16xf32> to vector<16xf32>
    %jit3A_219 = arith.constant 0.000000e+00 : f32
    %jit3A_220 = arith.constant 1.500000e+01 : f32
    %max3A_221 = vector.broadcast %jit3A_219 : f32 to vector<16xf32>
    %max3A_222 = arith.maximumf %max3A_221, %get3A_218 : vector<16xf32>
    %min3A_223 = vector.broadcast %jit3A_220 : f32 to vector<16xf32>
    %min3A_224 = arith.minimumf %min3A_223, %max3A_222 : vector<16xf32>
    %convert_element_type3A_225 = arith.fptosi %min3A_224 : vector<16xf32> to vector<16xi32>
    %mul3A_226 = arith.constant 256 : i32
    %mul3A_227 = vector.broadcast %mul3A_226 : i32 to vector<16xi32>
    %mul3A_228 = arith.muli %convert_element_type3A_205, %mul3A_227 : vector<16xi32>
    %mul3A_229 = arith.constant 16 : i32
    %mul3A_230 = vector.broadcast %mul3A_229 : i32 to vector<16xi32>
    %mul3A_231 = arith.muli %convert_element_type3A_215, %mul3A_230 : vector<16xi32>
    %add3A_232 = arith.addi %mul3A_228, %mul3A_231 : vector<16xi32>
    %add3A_233 = arith.addi %add3A_232, %convert_element_type3A_225 : vector<16xi32>
    %mul3A_234 = arith.constant 1024 : i32
    %mul3A_235 = arith.muli %add3A, %mul3A_234 : i32
    %and3A_236 = arith.constant 1023 : i32
    %and3A_237 = vector.broadcast %and3A_236 : i32 to vector<16xi32>
    %and3A_238 = arith.andi %add3A_233, %and3A_237 : vector<16xi32>
    %add3A_239 = vector.broadcast %mul3A_235 : i32 to vector<16xi32>
    %add3A_240 = arith.addi %add3A_239, %and3A_238 : vector<16xi32>
    %swap3A_241 = arith.constant 64 : index
    %swap3A_242 = tpu.vector_load %arg8[%swap3A_241] {strides = array<i32>} : memref<128xi32, #tpu.memory_space<vmem>>, vector<16xi32>,
    %swap3A_243 = vector.shape_cast %swap3A_242 : vector<16xi32> to vector<16xi32>
    %swap3A_244 = vector.shape_cast %add3A_240 : vector<16xi32> to vector<16xi32>
    tpu.vector_store %arg8[%swap3A_241], %swap3A_244 {strides = array<i32>} : memref<128xi32, #tpu.memory_space<vmem>>, vector<16xi32>,
    %get3A_245 = arith.constant 80 : index
    %get3A_246 = tpu.vector_load %arg5[%get3A_245] {strides = array<i32>} : memref<128xf32, #tpu.memory_space<vmem>>, vector<16xf32>,
    %get3A_247 = vector.shape_cast %get3A_246 : vector<16xf32> to vector<16xf32>
    %jit3A_248 = arith.constant 0.000000e+00 : f32
    %jit3A_249 = arith.constant 7.000000e+00 : f32
    %max3A_250 = vector.broadcast %jit3A_248 : f32 to vector<16xf32>
    %max3A_251 = arith.maximumf %max3A_250, %get3A_247 : vector<16xf32>
    %min3A_252 = vector.broadcast %jit3A_249 : f32 to vector<16xf32>
    %min3A_253 = arith.minimumf %min3A_252, %max3A_251 : vector<16xf32>
    %convert_element_type3A_254 = arith.fptosi %min3A_253 : vector<16xf32> to vector<16xi32>
    %get3A_255 = arith.constant 80 : index
    %get3A_256 = tpu.vector_load %arg6[%get3A_255] {strides = array<i32>} : memref<128xf32, #tpu.memory_space<vmem>>, vector<16xf32>,
    %get3A_257 = vector.shape_cast %get3A_256 : vector<16xf32> to vector<16xf32>
    %jit3A_258 = arith.constant 0.000000e+00 : f32
    %jit3A_259 = arith.constant 1.500000e+01 : f32
    %max3A_260 = vector.broadcast %jit3A_258 : f32 to vector<16xf32>
    %max3A_261 = arith.maximumf %max3A_260, %get3A_257 : vector<16xf32>
    %min3A_262 = vector.broadcast %jit3A_259 : f32 to vector<16xf32>
    %min3A_263 = arith.minimumf %min3A_262, %max3A_261 : vector<16xf32>
    %convert_element_type3A_264 = arith.fptosi %min3A_263 : vector<16xf32> to vector<16xi32>
    %get3A_265 = arith.constant 80 : index
    %get3A_266 = tpu.vector_load %arg7[%get3A_265] {strides = array<i32>} : memref<128xf32, #tpu.memory_space<vmem>>, vector<16xf32>,
    %get3A_267 = vector.shape_cast %get3A_266 : vector<16xf32> to vector<16xf32>
    %jit3A_268 = arith.constant 0.000000e+00 : f32
    %jit3A_269 = arith.constant 1.500000e+01 : f32
    %max3A_270 = vector.broadcast %jit3A_268 : f32 to vector<16xf32>
    %max3A_271 = arith.maximumf %max3A_270, %get3A_267 : vector<16xf32>
    %min3A_272 = vector.broadcast %jit3A_269 : f32 to vector<16xf32>
    %min3A_273 = arith.minimumf %min3A_272, %max3A_271 : vector<16xf32>
    %convert_element_type3A_274 = arith.fptosi %min3A_273 : vector<16xf32> to vector<16xi32>
    %mul3A_275 = arith.constant 256 : i32
    %mul3A_276 = vector.broadcast %mul3A_275 : i32 to vector<16xi32>
    %mul3A_277 = arith.muli %convert_element_type3A_254, %mul3A_276 : vector<16xi32>
    %mul3A_278 = arith.constant 16 : i32
    %mul3A_279 = vector.broadcast %mul3A_278 : i32 to vector<16xi32>
    %mul3A_280 = arith.muli %convert_element_type3A_264, %mul3A_279 : vector<16xi32>
    %add3A_281 = arith.addi %mul3A_277, %mul3A_280 : vector<16xi32>
    %add3A_282 = arith.addi %add3A_281, %convert_element_type3A_274 : vector<16xi32>
    %mul3A_283 = arith.constant 1024 : i32
    %mul3A_284 = arith.muli %add3A, %mul3A_283 : i32
    %and3A_285 = arith.constant 1023 : i32
    %and3A_286 = vector.broadcast %and3A_285 : i32 to vector<16xi32>
    %and3A_287 = arith.andi %add3A_282, %and3A_286 : vector<16xi32>
    %add3A_288 = vector.broadcast %mul3A_284 : i32 to vector<16xi32>
    %add3A_289 = arith.addi %add3A_288, %and3A_287 : vector<16xi32>
    %swap3A_290 = arith.constant 80 : index
    %swap3A_291 = tpu.vector_load %arg8[%swap3A_290] {strides = array<i32>} : memref<128xi32, #tpu.memory_space<vmem>>, vector<16xi32>,
    %swap3A_292 = vector.shape_cast %swap3A_291 : vector<16xi32> to vector<16xi32>
    %swap3A_293 = vector.shape_cast %add3A_289 : vector<16xi32> to vector<16xi32>
    tpu.vector_store %arg8[%swap3A_290], %swap3A_293 {strides = array<i32>} : memref<128xi32, #tpu.memory_space<vmem>>, vector<16xi32>,
    %get3A_294 = arith.constant 96 : index
    %get3A_295 = tpu.vector_load %arg5[%get3A_294] {strides = array<i32>} : memref<128xf32, #tpu.memory_space<vmem>>, vector<16xf32>,
    %get3A_296 = vector.shape_cast %get3A_295 : vector<16xf32> to vector<16xf32>
    %jit3A_297 = arith.constant 0.000000e+00 : f32
    %jit3A_298 = arith.constant 7.000000e+00 : f32
    %max3A_299 = vector.broadcast %jit3A_297 : f32 to vector<16xf32>
    %max3A_300 = arith.maximumf %max3A_299, %get3A_296 : vector<16xf32>
    %min3A_301 = vector.broadcast %jit3A_298 : f32 to vector<16xf32>
    %min3A_302 = arith.minimumf %min3A_301, %max3A_300 : vector<16xf32>
    %convert_element_type3A_303 = arith.fptosi %min3A_302 : vector<16xf32> to vector<16xi32>
    %get3A_304 = arith.constant 96 : index
    %get3A_305 = tpu.vector_load %arg6[%get3A_304] {strides = array<i32>} : memref<128xf32, #tpu.memory_space<vmem>>, vector<16xf32>,
    %get3A_306 = vector.shape_cast %get3A_305 : vector<16xf32> to vector<16xf32>
    %jit3A_307 = arith.constant 0.000000e+00 : f32
    %jit3A_308 = arith.constant 1.500000e+01 : f32
    %max3A_309 = vector.broadcast %jit3A_307 : f32 to vector<16xf32>
    %max3A_310 = arith.maximumf %max3A_309, %get3A_306 : vector<16xf32>
    %min3A_311 = vector.broadcast %jit3A_308 : f32 to vector<16xf32>
    %min3A_312 = arith.minimumf %min3A_311, %max3A_310 : vector<16xf32>
    %convert_element_type3A_313 = arith.fptosi %min3A_312 : vector<16xf32> to vector<16xi32>
    %get3A_314 = arith.constant 96 : index
    %get3A_315 = tpu.vector_load %arg7[%get3A_314] {strides = array<i32>} : memref<128xf32, #tpu.memory_space<vmem>>, vector<16xf32>,
    %get3A_316 = vector.shape_cast %get3A_315 : vector<16xf32> to vector<16xf32>
    %jit3A_317 = arith.constant 0.000000e+00 : f32
    %jit3A_318 = arith.constant 1.500000e+01 : f32
    %max3A_319 = vector.broadcast %jit3A_317 : f32 to vector<16xf32>
    %max3A_320 = arith.maximumf %max3A_319, %get3A_316 : vector<16xf32>
    %min3A_321 = vector.broadcast %jit3A_318 : f32 to vector<16xf32>
    %min3A_322 = arith.minimumf %min3A_321, %max3A_320 : vector<16xf32>
    %convert_element_type3A_323 = arith.fptosi %min3A_322 : vector<16xf32> to vector<16xi32>
    %mul3A_324 = arith.constant 256 : i32
    %mul3A_325 = vector.broadcast %mul3A_324 : i32 to vector<16xi32>
    %mul3A_326 = arith.muli %convert_element_type3A_303, %mul3A_325 : vector<16xi32>
    %mul3A_327 = arith.constant 16 : i32
    %mul3A_328 = vector.broadcast %mul3A_327 : i32 to vector<16xi32>
    %mul3A_329 = arith.muli %convert_element_type3A_313, %mul3A_328 : vector<16xi32>
    %add3A_330 = arith.addi %mul3A_326, %mul3A_329 : vector<16xi32>
    %add3A_331 = arith.addi %add3A_330, %convert_element_type3A_323 : vector<16xi32>
    %mul3A_332 = arith.constant 1024 : i32
    %mul3A_333 = arith.muli %add3A, %mul3A_332 : i32
    %and3A_334 = arith.constant 1023 : i32
    %and3A_335 = vector.broadcast %and3A_334 : i32 to vector<16xi32>
    %and3A_336 = arith.andi %add3A_331, %and3A_335 : vector<16xi32>
    %add3A_337 = vector.broadcast %mul3A_333 : i32 to vector<16xi32>
    %add3A_338 = arith.addi %add3A_337, %and3A_336 : vector<16xi32>
    %swap3A_339 = arith.constant 96 : index
    %swap3A_340 = tpu.vector_load %arg8[%swap3A_339] {strides = array<i32>} : memref<128xi32, #tpu.memory_space<vmem>>, vector<16xi32>,
    %swap3A_341 = vector.shape_cast %swap3A_340 : vector<16xi32> to vector<16xi32>
    %swap3A_342 = vector.shape_cast %add3A_338 : vector<16xi32> to vector<16xi32>
    tpu.vector_store %arg8[%swap3A_339], %swap3A_342 {strides = array<i32>} : memref<128xi32, #tpu.memory_space<vmem>>, vector<16xi32>,
    %get3A_343 = arith.constant 112 : index
    %get3A_344 = tpu.vector_load %arg5[%get3A_343] {strides = array<i32>} : memref<128xf32, #tpu.memory_space<vmem>>, vector<16xf32>,
    %get3A_345 = vector.shape_cast %get3A_344 : vector<16xf32> to vector<16xf32>
    %jit3A_346 = arith.constant 0.000000e+00 : f32
    %jit3A_347 = arith.constant 7.000000e+00 : f32
    %max3A_348 = vector.broadcast %jit3A_346 : f32 to vector<16xf32>
    %max3A_349 = arith.maximumf %max3A_348, %get3A_345 : vector<16xf32>
    %min3A_350 = vector.broadcast %jit3A_347 : f32 to vector<16xf32>
    %min3A_351 = arith.minimumf %min3A_350, %max3A_349 : vector<16xf32>
    %convert_element_type3A_352 = arith.fptosi %min3A_351 : vector<16xf32> to vector<16xi32>
    %get3A_353 = arith.constant 112 : index
    %get3A_354 = tpu.vector_load %arg6[%get3A_353] {strides = array<i32>} : memref<128xf32, #tpu.memory_space<vmem>>, vector<16xf32>,
    %get3A_355 = vector.shape_cast %get3A_354 : vector<16xf32> to vector<16xf32>
    %jit3A_356 = arith.constant 0.000000e+00 : f32
    %jit3A_357 = arith.constant 1.500000e+01 : f32
    %max3A_358 = vector.broadcast %jit3A_356 : f32 to vector<16xf32>
    %max3A_359 = arith.maximumf %max3A_358, %get3A_355 : vector<16xf32>
    %min3A_360 = vector.broadcast %jit3A_357 : f32 to vector<16xf32>
    %min3A_361 = arith.minimumf %min3A_360, %max3A_359 : vector<16xf32>
    %convert_element_type3A_362 = arith.fptosi %min3A_361 : vector<16xf32> to vector<16xi32>
    %get3A_363 = arith.constant 112 : index
    %get3A_364 = tpu.vector_load %arg7[%get3A_363] {strides = array<i32>} : memref<128xf32, #tpu.memory_space<vmem>>, vector<16xf32>,
    %get3A_365 = vector.shape_cast %get3A_364 : vector<16xf32> to vector<16xf32>
    %jit3A_366 = arith.constant 0.000000e+00 : f32
    %jit3A_367 = arith.constant 1.500000e+01 : f32
    %max3A_368 = vector.broadcast %jit3A_366 : f32 to vector<16xf32>
    %max3A_369 = arith.maximumf %max3A_368, %get3A_365 : vector<16xf32>
    %min3A_370 = vector.broadcast %jit3A_367 : f32 to vector<16xf32>
    %min3A_371 = arith.minimumf %min3A_370, %max3A_369 : vector<16xf32>
    %convert_element_type3A_372 = arith.fptosi %min3A_371 : vector<16xf32> to vector<16xi32>
    %mul3A_373 = arith.constant 256 : i32
    %mul3A_374 = vector.broadcast %mul3A_373 : i32 to vector<16xi32>
    %mul3A_375 = arith.muli %convert_element_type3A_352, %mul3A_374 : vector<16xi32>
    %mul3A_376 = arith.constant 16 : i32
    %mul3A_377 = vector.broadcast %mul3A_376 : i32 to vector<16xi32>
    %mul3A_378 = arith.muli %convert_element_type3A_362, %mul3A_377 : vector<16xi32>
    %add3A_379 = arith.addi %mul3A_375, %mul3A_378 : vector<16xi32>
    %add3A_380 = arith.addi %add3A_379, %convert_element_type3A_372 : vector<16xi32>
    %mul3A_381 = arith.constant 1024 : i32
    %mul3A_382 = arith.muli %add3A, %mul3A_381 : i32
    %and3A_383 = arith.constant 1023 : i32
    %and3A_384 = vector.broadcast %and3A_383 : i32 to vector<16xi32>
    %and3A_385 = arith.andi %add3A_380, %and3A_384 : vector<16xi32>
    %add3A_386 = vector.broadcast %mul3A_382 : i32 to vector<16xi32>
    %add3A_387 = arith.addi %add3A_386, %and3A_385 : vector<16xi32>
    %swap3A_388 = arith.constant 112 : index
    %swap3A_389 = tpu.vector_load %arg8[%swap3A_388] {strides = array<i32>} : memref<128xi32, #tpu.memory_space<vmem>>, vector<16xi32>,
    %swap3A_390 = vector.shape_cast %swap3A_389 : vector<16xi32> to vector<16xi32>
    %swap3A_391 = vector.shape_cast %add3A_387 : vector<16xi32> to vector<16xi32>
    tpu.vector_store %arg8[%swap3A_388], %swap3A_391 {strides = array<i32>} : memref<128xi32, #tpu.memory_space<vmem>>, vector<16xi32>,
    %dma_start3A = arith.constant 0 : i32
    %dma_start3A_392 = arith.constant 0 : i32
    %dma_start3A_393 = tpu.memref_slice %arg3[%dma_start3A, %dma_start3A_392] : memref<32768x128xf32, #tpu.memory_space<hbm>> -> memref<32768x128xf32, #tpu.memory_space<hbm>>
    tpu.enqueue_indirect_dma source(%dma_start3A_393 : memref<32768x128xf32, #tpu.memory_space<hbm>>) target(%arg9 : memref<128x128xf32, #tpu.memory_space<vmem>>) offsets(%arg8 : memref<128xi32, #tpu.memory_space<vmem>>) semaphore(%arg10 : memref<!tpu.dma_semaphore, #tpu.memory_space<semaphore_mem>>)
    %dma_wait3A = arith.constant 0 : i32
    %dma_wait3A_394 = arith.constant 0 : i32
    %dma_wait3A_395 = tpu.memref_slice %arg3[%dma_wait3A, %dma_wait3A_394] : memref<32768x128xf32, #tpu.memory_space<hbm>> -> memref<32768x128xf32, #tpu.memory_space<hbm>>
    tpu.wait_indirect_dma semaphore(%arg10 : memref<!tpu.dma_semaphore, #tpu.memory_space<semaphore_mem>>) src(%dma_wait3A_395 : memref<32768x128xf32, #tpu.memory_space<hbm>>) dst(%arg9 : memref<128x128xf32, #tpu.memory_space<vmem>>)
    "tpu.region"() ({
      %run_scoped3A = tpu.sem_alloc : memref<!tpu.dma_semaphore, #tpu.memory_space<semaphore_mem>>
      %dma_start3A_396 = arith.constant 0 : i32
      %dma_start3A_397 = tpu.memref_slice %arg4[%mul3A_2, %dma_start3A_396] : memref<4096x128xf32, #tpu.memory_space<hbm>> -> memref<128x128xf32, #tpu.memory_space<hbm>>
      %dma_start3A_398 = arith.constant 0 : i32
      %dma_start3A_399 = tpu.memref_slice %arg4[%mul3A_2, %dma_start3A_398] : memref<4096x128xf32, #tpu.memory_space<hbm>> -> memref<128x128xf32, #tpu.memory_space<hbm>>
      tpu.enqueue_dma source(%arg9 : memref<128x128xf32, #tpu.memory_space<vmem>>) target(%dma_start3A_399 : memref<128x128xf32, #tpu.memory_space<hbm>>) target_semaphore(%run_scoped3A : memref<!tpu.dma_semaphore, #tpu.memory_space<semaphore_mem>>)
      %dma_wait3A_400 = arith.constant 0 : i32
      %dma_wait3A_401 = tpu.memref_slice %arg4[%mul3A_2, %dma_wait3A_400] : memref<4096x128xf32, #tpu.memory_space<hbm>> -> memref<128x128xf32, #tpu.memory_space<hbm>>
      %dma_wait3A_402 = arith.constant 0 : i32
      %dma_wait3A_403 = tpu.memref_slice %arg4[%mul3A_2, %dma_wait3A_402] : memref<4096x128xf32, #tpu.memory_space<hbm>> -> memref<128x128xf32, #tpu.memory_space<hbm>>
      tpu.wait_dma2 semaphore(%run_scoped3A : memref<!tpu.dma_semaphore, #tpu.memory_space<semaphore_mem>>) src(%arg9 : memref<128x128xf32, #tpu.memory_space<vmem>>) dst(%dma_wait3A_403 : memref<128x128xf32, #tpu.memory_space<hbm>>)
      tpu.yield
    }) : () -> ()
    return
  }
}

module attributes {stable_mosaic.version = 14 : i64} {
  func.func @_out_body(%arg0: i32, %arg1: memref<2048x128xf32, #tpu.memory_space<vmem>>, %arg2: memref<2048x1xf32, #tpu.memory_space<vmem>>, %arg3: memref<64x64xf32, #tpu.memory_space<vmem>>, %arg4: memref<1x64xf32, #tpu.memory_space<vmem>>, %arg5: memref<2048x64xf32, #tpu.memory_space<vmem>>) attributes {dimension_semantics = [#tpu.dimension_semantics<arbitrary>], iteration_bounds = array<i64: 2>, scalar_prefetch = 0 : i64, scratch_operands = 0 : i64, tpu.core_type = #tpu.core_type<tc>, window_params = [{transform_indices = @transform_0, window_bounds = array<i64: 2048, 128>}, {transform_indices = @transform_1, window_bounds = array<i64: 2048, 1>}, {pipeline_mode = #tpu.pipeline_mode<synchronous>, transform_indices = @transform_2, window_bounds = array<i64: 64, 64>}, {pipeline_mode = #tpu.pipeline_mode<synchronous>, transform_indices = @transform_3, window_bounds = array<i64: 1, 64>}, {transform_indices = @transform_4, window_bounds = array<i64: 2048, 64>}]} {
    %get3A = arith.constant 0 : index
    %get3A_0 = arith.constant 0 : index
    %get3A_1 = vector.load %arg2[%get3A, %get3A_0] : memref<2048x1xf32, #tpu.memory_space<vmem>>, vector<2048x1xf32>
    %convert_element_type3A = arith.fptosi %get3A_1 : vector<2048x1xf32> to vector<2048x1xi32>
    %jit3A = arith.constant 0 : i32
    %jit3A_2 = arith.constant 7 : i32
    %max3A = vector.broadcast %jit3A : i32 to vector<2048x1xi32>
    %max3A_3 = arith.maxsi %max3A, %convert_element_type3A : vector<2048x1xi32>
    %min3A = vector.broadcast %jit3A_2 : i32 to vector<2048x1xi32>
    %min3A_4 = arith.minsi %min3A, %max3A_3 : vector<2048x1xi32>
    %ge3A = arith.constant 4 : i32
    %ge3A_5 = vector.broadcast %ge3A : i32 to vector<2048x1xi32>
    %ge3A_6 = arith.cmpi sge, %min3A_4, %ge3A_5 : vector<2048x1xi32>
    %jit3A_7 = arith.constant 1 : i32
    %jit3A_8 = arith.constant 0 : i32
    %broadcast_in_dim3A = vector.broadcast %jit3A_7 : i32 to vector<2048x1xi32>
    %broadcast_in_dim3A_9 = vector.broadcast %jit3A_8 : i32 to vector<2048x1xi32>
    %select_n3A = arith.select %ge3A_6, %broadcast_in_dim3A, %broadcast_in_dim3A_9 : vector<2048x1xi1>, vector<2048x1xi32>
    %get3A_10 = arith.constant 0 : index
    %get3A_11 = arith.constant 0 : index
    %get3A_12 = vector.load %arg1[%get3A_10, %get3A_11] : memref<2048x128xf32, #tpu.memory_space<vmem>>, vector<2048x128xf32>
    %iota3A = tpu.iota {dimensions = array<i32: 1>} : vector<2048x128xi32>
    %lt3A = arith.constant 64 : i32
    %lt3A_13 = vector.broadcast %lt3A : i32 to vector<2048x128xi32>
    %lt3A_14 = arith.cmpi slt, %iota3A, %lt3A_13 : vector<2048x128xi32>
    %jit3A_15 = arith.constant 0 : i32
    %jit3A_16 = arith.constant 1 : i32
    %broadcast_in_dim3A_17 = vector.broadcast %jit3A_15 : i32 to vector<2048x128xi32>
    %broadcast_in_dim3A_18 = vector.broadcast %jit3A_16 : i32 to vector<2048x128xi32>
    %select_n3A_19 = arith.select %lt3A_14, %broadcast_in_dim3A_17, %broadcast_in_dim3A_18 : vector<2048x128xi1>, vector<2048x128xi32>
    %eq3A = vector.broadcast %select_n3A : vector<2048x1xi32> to vector<2048x128xi32>
    %eq3A_20 = arith.cmpi eq, %select_n3A_19, %eq3A : vector<2048x128xi32>
    %jit3A_21 = arith.constant 0.000000e+00 : f32
    %broadcast_in_dim3A_22 = vector.broadcast %jit3A_21 : f32 to vector<2048x128xf32>
    %select_n3A_23 = arith.select %eq3A_20, %get3A_12, %broadcast_in_dim3A_22 : vector<2048x128xi1>, vector<2048x128xf32>
    %get3A_24 = arith.constant 0 : index
    %get3A_25 = arith.constant 0 : index
    %get3A_26 = vector.load %arg3[%get3A_24, %get3A_25] : memref<64x64xf32, #tpu.memory_space<vmem>>, vector<64x64xf32>
    %get3A_27 = arith.constant 0 : index
    %get3A_28 = arith.constant 0 : index
    %get3A_29 = vector.load %arg3[%get3A_27, %get3A_28] : memref<64x64xf32, #tpu.memory_space<vmem>>, vector<64x64xf32>
    %concatenate3A = tpu.concatenate %get3A_26, %get3A_29 in 0 : vector<64x64xf32>, vector<64x64xf32> -> vector<128x64xf32>
    %dot_general3A = arith.constant dense<0.000000e+00> : vector<2048x64xf32>
    %dot_general3A_30 = tpu.matmul %select_n3A_23, %concatenate3A, %dot_general3A {dimension_numbers = #tpu.dot_dimension_numbers<[1], [0], [0], [1], [0, 0, 1, 1], [], []>, transpose_lhs_hint = false} : vector<2048x128xf32>, vector<128x64xf32>, vector<2048x64xf32> -> vector<2048x64xf32>
    %get3A_31 = arith.constant 0 : index
    %get3A_32 = arith.constant 0 : index
    %get3A_33 = vector.load %arg4[%get3A_31, %get3A_32] : memref<1x64xf32, #tpu.memory_space<vmem>>, vector<1x64xf32>
    %add3A = vector.broadcast %get3A_33 : vector<1x64xf32> to vector<2048x64xf32>
    %add3A_34 = arith.addf %dot_general3A_30, %add3A : vector<2048x64xf32>
    %mul3A = arith.mulf %add3A_34, %add3A_34 : vector<2048x64xf32>
    %reduce_sum3A = arith.constant dense<0.000000e+00> : vector<2048xf32>
    %reduce_sum3A_35 = vector.multi_reduction <add>, %mul3A, %reduce_sum3A [1] : vector<2048x64xf32> to vector<2048xf32>
    %broadcast_in_dim3A_36 = vector.shape_cast %reduce_sum3A_35 : vector<2048xf32> to vector<2048x1xf32>
    %sqrt3A = math.sqrt %broadcast_in_dim3A_36 : vector<2048x1xf32>
    %max3A_37 = arith.constant 9.99999996E-13 : f32
    %max3A_38 = vector.broadcast %max3A_37 : f32 to vector<2048x1xf32>
    %max3A_39 = arith.maximumf %sqrt3A, %max3A_38 : vector<2048x1xf32>
    %div3A = vector.broadcast %max3A_39 : vector<2048x1xf32> to vector<2048x64xf32>
    %div3A_40 = arith.divf %add3A_34, %div3A : vector<2048x64xf32>
    %swap3A = arith.constant 0 : index
    %swap3A_41 = arith.constant 0 : index
    %swap3A_42 = vector.load %arg5[%swap3A, %swap3A_41] : memref<2048x64xf32, #tpu.memory_space<vmem>>, vector<2048x64xf32>
    tpu.vector_store %arg5[%swap3A, %swap3A_41], %div3A_40 {strides = array<i32>} : memref<2048x64xf32, #tpu.memory_space<vmem>>, vector<2048x64xf32>,
    return
  }
  func.func @transform_0(%arg0: i32) -> (i32, i32) {
    %c0_i32 = arith.constant 0 : i32
    %c0_i32_0 = arith.constant 0 : i32
    return %arg0, %c0_i32 : i32, i32
  }
  func.func @transform_1(%arg0: i32) -> (i32, i32) {
    %c0_i32 = arith.constant 0 : i32
    %c0_i32_0 = arith.constant 0 : i32
    return %arg0, %c0_i32 : i32, i32
  }
  func.func @transform_2(%arg0: i32) -> (i32, i32) {
    %c0_i32 = arith.constant 0 : i32
    %c0_i32_0 = arith.constant 0 : i32
    %c0_i32_1 = arith.constant 0 : i32
    return %c0_i32, %c0_i32_0 : i32, i32
  }
  func.func @transform_3(%arg0: i32) -> (i32, i32) {
    %c0_i32 = arith.constant 0 : i32
    %c0_i32_0 = arith.constant 0 : i32
    %c0_i32_1 = arith.constant 0 : i32
    return %c0_i32, %c0_i32_0 : i32, i32
  }
  func.func @transform_4(%arg0: i32) -> (i32, i32) {
    %c0_i32 = arith.constant 0 : i32
    %c0_i32_0 = arith.constant 0 : i32
    return %arg0, %c0_i32 : i32, i32
  }
}

module attributes {stable_mosaic.version = 14 : i64} {
  func.func @_hidden_body(%arg0: i32, %arg1: memref<8x128x2048xf32, #tpu.memory_space<vmem>>, %arg2: memref<128x128xf32, #tpu.memory_space<vmem>>, %arg3: memref<128x128xf32, #tpu.memory_space<vmem>>, %arg4: memref<1x128xf32, #tpu.memory_space<vmem>>, %arg5: memref<8x1024x128xf32, #tpu.memory_space<vmem>>) attributes {dimension_semantics = [#tpu.dimension_semantics<arbitrary>], iteration_bounds = array<i64: 4>, scalar_prefetch = 0 : i64, scratch_operands = 0 : i64, tpu.core_type = #tpu.core_type<tc>, window_params = [{transform_indices = @transform_0, window_bounds = array<i64: 8, 128, 2048>}, {pipeline_mode = #tpu.pipeline_mode<synchronous>, transform_indices = @transform_1, window_bounds = array<i64: 128, 128>}, {pipeline_mode = #tpu.pipeline_mode<synchronous>, transform_indices = @transform_2, window_bounds = array<i64: 128, 128>}, {pipeline_mode = #tpu.pipeline_mode<synchronous>, transform_indices = @transform_3, window_bounds = array<i64: 1, 128>}, {transform_indices = @transform_4, window_bounds = array<i64: 8, 1024, 128>}]} {
    %get3A = arith.constant 0 : index
    %get3A_0 = arith.constant 0 : index
    %get3A_1 = arith.constant 0 : index
    %get3A_2 = vector.load %arg1[%get3A, %get3A_0, %get3A_1] : memref<8x128x2048xf32, #tpu.memory_space<vmem>>, vector<1x128x2048xf32>
    %get3A_3 = vector.shape_cast %get3A_2 : vector<1x128x2048xf32> to vector<128x2048xf32>
    %slice3A = vector.extract_strided_slice %get3A_3 {offsets = [0, 0], sizes = [128, 1024], strides = [1, 1]} : vector<128x2048xf32> to vector<128x1024xf32>
    %slice3A_4 = vector.extract_strided_slice %get3A_3 {offsets = [0, 1024], sizes = [128, 1024], strides = [1, 1]} : vector<128x2048xf32> to vector<128x1024xf32>
    %get3A_5 = arith.constant 0 : index
    %get3A_6 = arith.constant 0 : index
    %get3A_7 = vector.load %arg2[%get3A_5, %get3A_6] : memref<128x128xf32, #tpu.memory_space<vmem>>, vector<128x128xf32>
    %dot_general3A = arith.constant dense<0.000000e+00> : vector<1024x128xf32>
    %dot_general3A_8 = tpu.matmul %slice3A, %get3A_7, %dot_general3A {dimension_numbers = #tpu.dot_dimension_numbers<[0], [0], [1], [1], [0, 1, 1, 1], [], []>, transpose_lhs_hint = false} : vector<128x1024xf32>, vector<128x128xf32>, vector<1024x128xf32> -> vector<1024x128xf32>
    %get3A_9 = arith.constant 0 : index
    %get3A_10 = arith.constant 0 : index
    %get3A_11 = vector.load %arg3[%get3A_9, %get3A_10] : memref<128x128xf32, #tpu.memory_space<vmem>>, vector<128x128xf32>
    %dot_general3A_12 = arith.constant dense<0.000000e+00> : vector<1024x128xf32>
    %dot_general3A_13 = tpu.matmul %slice3A_4, %get3A_11, %dot_general3A_12 {dimension_numbers = #tpu.dot_dimension_numbers<[0], [0], [1], [1], [0, 1, 1, 1], [], []>, transpose_lhs_hint = false} : vector<128x1024xf32>, vector<128x128xf32>, vector<1024x128xf32> -> vector<1024x128xf32>
    %add3A = arith.addf %dot_general3A_8, %dot_general3A_13 : vector<1024x128xf32>
    %get3A_14 = arith.constant 0 : index
    %get3A_15 = arith.constant 0 : index
    %get3A_16 = vector.load %arg4[%get3A_14, %get3A_15] : memref<1x128xf32, #tpu.memory_space<vmem>>, vector<1x128xf32>
    %add3A_17 = vector.broadcast %get3A_16 : vector<1x128xf32> to vector<1024x128xf32>
    %add3A_18 = arith.addf %add3A, %add3A_17 : vector<1024x128xf32>
    %max3A = arith.constant 0.000000e+00 : f32
    %max3A_19 = vector.broadcast %max3A : f32 to vector<1024x128xf32>
    %max3A_20 = arith.maximumf %add3A_18, %max3A_19 : vector<1024x128xf32>
    %swap3A = arith.constant 0 : index
    %swap3A_21 = arith.constant 0 : index
    %swap3A_22 = arith.constant 0 : index
    %swap3A_23 = vector.load %arg5[%swap3A, %swap3A_21, %swap3A_22] : memref<8x1024x128xf32, #tpu.memory_space<vmem>>, vector<1x1024x128xf32>
    %swap3A_24 = vector.shape_cast %swap3A_23 : vector<1x1024x128xf32> to vector<1024x128xf32>
    %swap3A_25 = vector.shape_cast %max3A_20 : vector<1024x128xf32> to vector<1x1024x128xf32>
    tpu.vector_store %arg5[%swap3A, %swap3A_21, %swap3A_22], %swap3A_25 {strides = array<i32>} : memref<8x1024x128xf32, #tpu.memory_space<vmem>>, vector<1x1024x128xf32>,
    %get3A_26 = arith.constant 1 : index
    %get3A_27 = arith.constant 0 : index
    %get3A_28 = arith.constant 0 : index
    %get3A_29 = vector.load %arg1[%get3A_26, %get3A_27, %get3A_28] : memref<8x128x2048xf32, #tpu.memory_space<vmem>>, vector<1x128x2048xf32>
    %get3A_30 = vector.shape_cast %get3A_29 : vector<1x128x2048xf32> to vector<128x2048xf32>
    %slice3A_31 = vector.extract_strided_slice %get3A_30 {offsets = [0, 0], sizes = [128, 1024], strides = [1, 1]} : vector<128x2048xf32> to vector<128x1024xf32>
    %slice3A_32 = vector.extract_strided_slice %get3A_30 {offsets = [0, 1024], sizes = [128, 1024], strides = [1, 1]} : vector<128x2048xf32> to vector<128x1024xf32>
    %get3A_33 = arith.constant 0 : index
    %get3A_34 = arith.constant 0 : index
    %get3A_35 = vector.load %arg2[%get3A_33, %get3A_34] : memref<128x128xf32, #tpu.memory_space<vmem>>, vector<128x128xf32>
    %dot_general3A_36 = arith.constant dense<0.000000e+00> : vector<1024x128xf32>
    %dot_general3A_37 = tpu.matmul %slice3A_31, %get3A_35, %dot_general3A_36 {dimension_numbers = #tpu.dot_dimension_numbers<[0], [0], [1], [1], [0, 1, 1, 1], [], []>, transpose_lhs_hint = false} : vector<128x1024xf32>, vector<128x128xf32>, vector<1024x128xf32> -> vector<1024x128xf32>
    %get3A_38 = arith.constant 0 : index
    %get3A_39 = arith.constant 0 : index
    %get3A_40 = vector.load %arg3[%get3A_38, %get3A_39] : memref<128x128xf32, #tpu.memory_space<vmem>>, vector<128x128xf32>
    %dot_general3A_41 = arith.constant dense<0.000000e+00> : vector<1024x128xf32>
    %dot_general3A_42 = tpu.matmul %slice3A_32, %get3A_40, %dot_general3A_41 {dimension_numbers = #tpu.dot_dimension_numbers<[0], [0], [1], [1], [0, 1, 1, 1], [], []>, transpose_lhs_hint = false} : vector<128x1024xf32>, vector<128x128xf32>, vector<1024x128xf32> -> vector<1024x128xf32>
    %add3A_43 = arith.addf %dot_general3A_37, %dot_general3A_42 : vector<1024x128xf32>
    %get3A_44 = arith.constant 0 : index
    %get3A_45 = arith.constant 0 : index
    %get3A_46 = vector.load %arg4[%get3A_44, %get3A_45] : memref<1x128xf32, #tpu.memory_space<vmem>>, vector<1x128xf32>
    %add3A_47 = vector.broadcast %get3A_46 : vector<1x128xf32> to vector<1024x128xf32>
    %add3A_48 = arith.addf %add3A_43, %add3A_47 : vector<1024x128xf32>
    %max3A_49 = arith.constant 0.000000e+00 : f32
    %max3A_50 = vector.broadcast %max3A_49 : f32 to vector<1024x128xf32>
    %max3A_51 = arith.maximumf %add3A_48, %max3A_50 : vector<1024x128xf32>
    %swap3A_52 = arith.constant 1 : index
    %swap3A_53 = arith.constant 0 : index
    %swap3A_54 = arith.constant 0 : index
    %swap3A_55 = vector.load %arg5[%swap3A_52, %swap3A_53, %swap3A_54] : memref<8x1024x128xf32, #tpu.memory_space<vmem>>, vector<1x1024x128xf32>
    %swap3A_56 = vector.shape_cast %swap3A_55 : vector<1x1024x128xf32> to vector<1024x128xf32>
    %swap3A_57 = vector.shape_cast %max3A_51 : vector<1024x128xf32> to vector<1x1024x128xf32>
    tpu.vector_store %arg5[%swap3A_52, %swap3A_53, %swap3A_54], %swap3A_57 {strides = array<i32>} : memref<8x1024x128xf32, #tpu.memory_space<vmem>>, vector<1x1024x128xf32>,
    %get3A_58 = arith.constant 2 : index
    %get3A_59 = arith.constant 0 : index
    %get3A_60 = arith.constant 0 : index
    %get3A_61 = vector.load %arg1[%get3A_58, %get3A_59, %get3A_60] : memref<8x128x2048xf32, #tpu.memory_space<vmem>>, vector<1x128x2048xf32>
    %get3A_62 = vector.shape_cast %get3A_61 : vector<1x128x2048xf32> to vector<128x2048xf32>
    %slice3A_63 = vector.extract_strided_slice %get3A_62 {offsets = [0, 0], sizes = [128, 1024], strides = [1, 1]} : vector<128x2048xf32> to vector<128x1024xf32>
    %slice3A_64 = vector.extract_strided_slice %get3A_62 {offsets = [0, 1024], sizes = [128, 1024], strides = [1, 1]} : vector<128x2048xf32> to vector<128x1024xf32>
    %get3A_65 = arith.constant 0 : index
    %get3A_66 = arith.constant 0 : index
    %get3A_67 = vector.load %arg2[%get3A_65, %get3A_66] : memref<128x128xf32, #tpu.memory_space<vmem>>, vector<128x128xf32>
    %dot_general3A_68 = arith.constant dense<0.000000e+00> : vector<1024x128xf32>
    %dot_general3A_69 = tpu.matmul %slice3A_63, %get3A_67, %dot_general3A_68 {dimension_numbers = #tpu.dot_dimension_numbers<[0], [0], [1], [1], [0, 1, 1, 1], [], []>, transpose_lhs_hint = false} : vector<128x1024xf32>, vector<128x128xf32>, vector<1024x128xf32> -> vector<1024x128xf32>
    %get3A_70 = arith.constant 0 : index
    %get3A_71 = arith.constant 0 : index
    %get3A_72 = vector.load %arg3[%get3A_70, %get3A_71] : memref<128x128xf32, #tpu.memory_space<vmem>>, vector<128x128xf32>
    %dot_general3A_73 = arith.constant dense<0.000000e+00> : vector<1024x128xf32>
    %dot_general3A_74 = tpu.matmul %slice3A_64, %get3A_72, %dot_general3A_73 {dimension_numbers = #tpu.dot_dimension_numbers<[0], [0], [1], [1], [0, 1, 1, 1], [], []>, transpose_lhs_hint = false} : vector<128x1024xf32>, vector<128x128xf32>, vector<1024x128xf32> -> vector<1024x128xf32>
    %add3A_75 = arith.addf %dot_general3A_69, %dot_general3A_74 : vector<1024x128xf32>
    %get3A_76 = arith.constant 0 : index
    %get3A_77 = arith.constant 0 : index
    %get3A_78 = vector.load %arg4[%get3A_76, %get3A_77] : memref<1x128xf32, #tpu.memory_space<vmem>>, vector<1x128xf32>
    %add3A_79 = vector.broadcast %get3A_78 : vector<1x128xf32> to vector<1024x128xf32>
    %add3A_80 = arith.addf %add3A_75, %add3A_79 : vector<1024x128xf32>
    %max3A_81 = arith.constant 0.000000e+00 : f32
    %max3A_82 = vector.broadcast %max3A_81 : f32 to vector<1024x128xf32>
    %max3A_83 = arith.maximumf %add3A_80, %max3A_82 : vector<1024x128xf32>
    %swap3A_84 = arith.constant 2 : index
    %swap3A_85 = arith.constant 0 : index
    %swap3A_86 = arith.constant 0 : index
    %swap3A_87 = vector.load %arg5[%swap3A_84, %swap3A_85, %swap3A_86] : memref<8x1024x128xf32, #tpu.memory_space<vmem>>, vector<1x1024x128xf32>
    %swap3A_88 = vector.shape_cast %swap3A_87 : vector<1x1024x128xf32> to vector<1024x128xf32>
    %swap3A_89 = vector.shape_cast %max3A_83 : vector<1024x128xf32> to vector<1x1024x128xf32>
    tpu.vector_store %arg5[%swap3A_84, %swap3A_85, %swap3A_86], %swap3A_89 {strides = array<i32>} : memref<8x1024x128xf32, #tpu.memory_space<vmem>>, vector<1x1024x128xf32>,
    %get3A_90 = arith.constant 3 : index
    %get3A_91 = arith.constant 0 : index
    %get3A_92 = arith.constant 0 : index
    %get3A_93 = vector.load %arg1[%get3A_90, %get3A_91, %get3A_92] : memref<8x128x2048xf32, #tpu.memory_space<vmem>>, vector<1x128x2048xf32>
    %get3A_94 = vector.shape_cast %get3A_93 : vector<1x128x2048xf32> to vector<128x2048xf32>
    %slice3A_95 = vector.extract_strided_slice %get3A_94 {offsets = [0, 0], sizes = [128, 1024], strides = [1, 1]} : vector<128x2048xf32> to vector<128x1024xf32>
    %slice3A_96 = vector.extract_strided_slice %get3A_94 {offsets = [0, 1024], sizes = [128, 1024], strides = [1, 1]} : vector<128x2048xf32> to vector<128x1024xf32>
    %get3A_97 = arith.constant 0 : index
    %get3A_98 = arith.constant 0 : index
    %get3A_99 = vector.load %arg2[%get3A_97, %get3A_98] : memref<128x128xf32, #tpu.memory_space<vmem>>, vector<128x128xf32>
    %dot_general3A_100 = arith.constant dense<0.000000e+00> : vector<1024x128xf32>
    %dot_general3A_101 = tpu.matmul %slice3A_95, %get3A_99, %dot_general3A_100 {dimension_numbers = #tpu.dot_dimension_numbers<[0], [0], [1], [1], [0, 1, 1, 1], [], []>, transpose_lhs_hint = false} : vector<128x1024xf32>, vector<128x128xf32>, vector<1024x128xf32> -> vector<1024x128xf32>
    %get3A_102 = arith.constant 0 : index
    %get3A_103 = arith.constant 0 : index
    %get3A_104 = vector.load %arg3[%get3A_102, %get3A_103] : memref<128x128xf32, #tpu.memory_space<vmem>>, vector<128x128xf32>
    %dot_general3A_105 = arith.constant dense<0.000000e+00> : vector<1024x128xf32>
    %dot_general3A_106 = tpu.matmul %slice3A_96, %get3A_104, %dot_general3A_105 {dimension_numbers = #tpu.dot_dimension_numbers<[0], [0], [1], [1], [0, 1, 1, 1], [], []>, transpose_lhs_hint = false} : vector<128x1024xf32>, vector<128x128xf32>, vector<1024x128xf32> -> vector<1024x128xf32>
    %add3A_107 = arith.addf %dot_general3A_101, %dot_general3A_106 : vector<1024x128xf32>
    %get3A_108 = arith.constant 0 : index
    %get3A_109 = arith.constant 0 : index
    %get3A_110 = vector.load %arg4[%get3A_108, %get3A_109] : memref<1x128xf32, #tpu.memory_space<vmem>>, vector<1x128xf32>
    %add3A_111 = vector.broadcast %get3A_110 : vector<1x128xf32> to vector<1024x128xf32>
    %add3A_112 = arith.addf %add3A_107, %add3A_111 : vector<1024x128xf32>
    %max3A_113 = arith.constant 0.000000e+00 : f32
    %max3A_114 = vector.broadcast %max3A_113 : f32 to vector<1024x128xf32>
    %max3A_115 = arith.maximumf %add3A_112, %max3A_114 : vector<1024x128xf32>
    %swap3A_116 = arith.constant 3 : index
    %swap3A_117 = arith.constant 0 : index
    %swap3A_118 = arith.constant 0 : index
    %swap3A_119 = vector.load %arg5[%swap3A_116, %swap3A_117, %swap3A_118] : memref<8x1024x128xf32, #tpu.memory_space<vmem>>, vector<1x1024x128xf32>
    %swap3A_120 = vector.shape_cast %swap3A_119 : vector<1x1024x128xf32> to vector<1024x128xf32>
    %swap3A_121 = vector.shape_cast %max3A_115 : vector<1024x128xf32> to vector<1x1024x128xf32>
    tpu.vector_store %arg5[%swap3A_116, %swap3A_117, %swap3A_118], %swap3A_121 {strides = array<i32>} : memref<8x1024x128xf32, #tpu.memory_space<vmem>>, vector<1x1024x128xf32>,
    %get3A_122 = arith.constant 4 : index
    %get3A_123 = arith.constant 0 : index
    %get3A_124 = arith.constant 0 : index
    %get3A_125 = vector.load %arg1[%get3A_122, %get3A_123, %get3A_124] : memref<8x128x2048xf32, #tpu.memory_space<vmem>>, vector<1x128x2048xf32>
    %get3A_126 = vector.shape_cast %get3A_125 : vector<1x128x2048xf32> to vector<128x2048xf32>
    %slice3A_127 = vector.extract_strided_slice %get3A_126 {offsets = [0, 0], sizes = [128, 1024], strides = [1, 1]} : vector<128x2048xf32> to vector<128x1024xf32>
    %slice3A_128 = vector.extract_strided_slice %get3A_126 {offsets = [0, 1024], sizes = [128, 1024], strides = [1, 1]} : vector<128x2048xf32> to vector<128x1024xf32>
    %get3A_129 = arith.constant 0 : index
    %get3A_130 = arith.constant 0 : index
    %get3A_131 = vector.load %arg2[%get3A_129, %get3A_130] : memref<128x128xf32, #tpu.memory_space<vmem>>, vector<128x128xf32>
    %dot_general3A_132 = arith.constant dense<0.000000e+00> : vector<1024x128xf32>
    %dot_general3A_133 = tpu.matmul %slice3A_127, %get3A_131, %dot_general3A_132 {dimension_numbers = #tpu.dot_dimension_numbers<[0], [0], [1], [1], [0, 1, 1, 1], [], []>, transpose_lhs_hint = false} : vector<128x1024xf32>, vector<128x128xf32>, vector<1024x128xf32> -> vector<1024x128xf32>
    %get3A_134 = arith.constant 0 : index
    %get3A_135 = arith.constant 0 : index
    %get3A_136 = vector.load %arg3[%get3A_134, %get3A_135] : memref<128x128xf32, #tpu.memory_space<vmem>>, vector<128x128xf32>
    %dot_general3A_137 = arith.constant dense<0.000000e+00> : vector<1024x128xf32>
    %dot_general3A_138 = tpu.matmul %slice3A_128, %get3A_136, %dot_general3A_137 {dimension_numbers = #tpu.dot_dimension_numbers<[0], [0], [1], [1], [0, 1, 1, 1], [], []>, transpose_lhs_hint = false} : vector<128x1024xf32>, vector<128x128xf32>, vector<1024x128xf32> -> vector<1024x128xf32>
    %add3A_139 = arith.addf %dot_general3A_133, %dot_general3A_138 : vector<1024x128xf32>
    %get3A_140 = arith.constant 0 : index
    %get3A_141 = arith.constant 0 : index
    %get3A_142 = vector.load %arg4[%get3A_140, %get3A_141] : memref<1x128xf32, #tpu.memory_space<vmem>>, vector<1x128xf32>
    %add3A_143 = vector.broadcast %get3A_142 : vector<1x128xf32> to vector<1024x128xf32>
    %add3A_144 = arith.addf %add3A_139, %add3A_143 : vector<1024x128xf32>
    %max3A_145 = arith.constant 0.000000e+00 : f32
    %max3A_146 = vector.broadcast %max3A_145 : f32 to vector<1024x128xf32>
    %max3A_147 = arith.maximumf %add3A_144, %max3A_146 : vector<1024x128xf32>
    %swap3A_148 = arith.constant 4 : index
    %swap3A_149 = arith.constant 0 : index
    %swap3A_150 = arith.constant 0 : index
    %swap3A_151 = vector.load %arg5[%swap3A_148, %swap3A_149, %swap3A_150] : memref<8x1024x128xf32, #tpu.memory_space<vmem>>, vector<1x1024x128xf32>
    %swap3A_152 = vector.shape_cast %swap3A_151 : vector<1x1024x128xf32> to vector<1024x128xf32>
    %swap3A_153 = vector.shape_cast %max3A_147 : vector<1024x128xf32> to vector<1x1024x128xf32>
    tpu.vector_store %arg5[%swap3A_148, %swap3A_149, %swap3A_150], %swap3A_153 {strides = array<i32>} : memref<8x1024x128xf32, #tpu.memory_space<vmem>>, vector<1x1024x128xf32>,
    %get3A_154 = arith.constant 5 : index
    %get3A_155 = arith.constant 0 : index
    %get3A_156 = arith.constant 0 : index
    %get3A_157 = vector.load %arg1[%get3A_154, %get3A_155, %get3A_156] : memref<8x128x2048xf32, #tpu.memory_space<vmem>>, vector<1x128x2048xf32>
    %get3A_158 = vector.shape_cast %get3A_157 : vector<1x128x2048xf32> to vector<128x2048xf32>
    %slice3A_159 = vector.extract_strided_slice %get3A_158 {offsets = [0, 0], sizes = [128, 1024], strides = [1, 1]} : vector<128x2048xf32> to vector<128x1024xf32>
    %slice3A_160 = vector.extract_strided_slice %get3A_158 {offsets = [0, 1024], sizes = [128, 1024], strides = [1, 1]} : vector<128x2048xf32> to vector<128x1024xf32>
    %get3A_161 = arith.constant 0 : index
    %get3A_162 = arith.constant 0 : index
    %get3A_163 = vector.load %arg2[%get3A_161, %get3A_162] : memref<128x128xf32, #tpu.memory_space<vmem>>, vector<128x128xf32>
    %dot_general3A_164 = arith.constant dense<0.000000e+00> : vector<1024x128xf32>
    %dot_general3A_165 = tpu.matmul %slice3A_159, %get3A_163, %dot_general3A_164 {dimension_numbers = #tpu.dot_dimension_numbers<[0], [0], [1], [1], [0, 1, 1, 1], [], []>, transpose_lhs_hint = false} : vector<128x1024xf32>, vector<128x128xf32>, vector<1024x128xf32> -> vector<1024x128xf32>
    %get3A_166 = arith.constant 0 : index
    %get3A_167 = arith.constant 0 : index
    %get3A_168 = vector.load %arg3[%get3A_166, %get3A_167] : memref<128x128xf32, #tpu.memory_space<vmem>>, vector<128x128xf32>
    %dot_general3A_169 = arith.constant dense<0.000000e+00> : vector<1024x128xf32>
    %dot_general3A_170 = tpu.matmul %slice3A_160, %get3A_168, %dot_general3A_169 {dimension_numbers = #tpu.dot_dimension_numbers<[0], [0], [1], [1], [0, 1, 1, 1], [], []>, transpose_lhs_hint = false} : vector<128x1024xf32>, vector<128x128xf32>, vector<1024x128xf32> -> vector<1024x128xf32>
    %add3A_171 = arith.addf %dot_general3A_165, %dot_general3A_170 : vector<1024x128xf32>
    %get3A_172 = arith.constant 0 : index
    %get3A_173 = arith.constant 0 : index
    %get3A_174 = vector.load %arg4[%get3A_172, %get3A_173] : memref<1x128xf32, #tpu.memory_space<vmem>>, vector<1x128xf32>
    %add3A_175 = vector.broadcast %get3A_174 : vector<1x128xf32> to vector<1024x128xf32>
    %add3A_176 = arith.addf %add3A_171, %add3A_175 : vector<1024x128xf32>
    %max3A_177 = arith.constant 0.000000e+00 : f32
    %max3A_178 = vector.broadcast %max3A_177 : f32 to vector<1024x128xf32>
    %max3A_179 = arith.maximumf %add3A_176, %max3A_178 : vector<1024x128xf32>
    %swap3A_180 = arith.constant 5 : index
    %swap3A_181 = arith.constant 0 : index
    %swap3A_182 = arith.constant 0 : index
    %swap3A_183 = vector.load %arg5[%swap3A_180, %swap3A_181, %swap3A_182] : memref<8x1024x128xf32, #tpu.memory_space<vmem>>, vector<1x1024x128xf32>
    %swap3A_184 = vector.shape_cast %swap3A_183 : vector<1x1024x128xf32> to vector<1024x128xf32>
    %swap3A_185 = vector.shape_cast %max3A_179 : vector<1024x128xf32> to vector<1x1024x128xf32>
    tpu.vector_store %arg5[%swap3A_180, %swap3A_181, %swap3A_182], %swap3A_185 {strides = array<i32>} : memref<8x1024x128xf32, #tpu.memory_space<vmem>>, vector<1x1024x128xf32>,
    %get3A_186 = arith.constant 6 : index
    %get3A_187 = arith.constant 0 : index
    %get3A_188 = arith.constant 0 : index
    %get3A_189 = vector.load %arg1[%get3A_186, %get3A_187, %get3A_188] : memref<8x128x2048xf32, #tpu.memory_space<vmem>>, vector<1x128x2048xf32>
    %get3A_190 = vector.shape_cast %get3A_189 : vector<1x128x2048xf32> to vector<128x2048xf32>
    %slice3A_191 = vector.extract_strided_slice %get3A_190 {offsets = [0, 0], sizes = [128, 1024], strides = [1, 1]} : vector<128x2048xf32> to vector<128x1024xf32>
    %slice3A_192 = vector.extract_strided_slice %get3A_190 {offsets = [0, 1024], sizes = [128, 1024], strides = [1, 1]} : vector<128x2048xf32> to vector<128x1024xf32>
    %get3A_193 = arith.constant 0 : index
    %get3A_194 = arith.constant 0 : index
    %get3A_195 = vector.load %arg2[%get3A_193, %get3A_194] : memref<128x128xf32, #tpu.memory_space<vmem>>, vector<128x128xf32>
    %dot_general3A_196 = arith.constant dense<0.000000e+00> : vector<1024x128xf32>
    %dot_general3A_197 = tpu.matmul %slice3A_191, %get3A_195, %dot_general3A_196 {dimension_numbers = #tpu.dot_dimension_numbers<[0], [0], [1], [1], [0, 1, 1, 1], [], []>, transpose_lhs_hint = false} : vector<128x1024xf32>, vector<128x128xf32>, vector<1024x128xf32> -> vector<1024x128xf32>
    %get3A_198 = arith.constant 0 : index
    %get3A_199 = arith.constant 0 : index
    %get3A_200 = vector.load %arg3[%get3A_198, %get3A_199] : memref<128x128xf32, #tpu.memory_space<vmem>>, vector<128x128xf32>
    %dot_general3A_201 = arith.constant dense<0.000000e+00> : vector<1024x128xf32>
    %dot_general3A_202 = tpu.matmul %slice3A_192, %get3A_200, %dot_general3A_201 {dimension_numbers = #tpu.dot_dimension_numbers<[0], [0], [1], [1], [0, 1, 1, 1], [], []>, transpose_lhs_hint = false} : vector<128x1024xf32>, vector<128x128xf32>, vector<1024x128xf32> -> vector<1024x128xf32>
    %add3A_203 = arith.addf %dot_general3A_197, %dot_general3A_202 : vector<1024x128xf32>
    %get3A_204 = arith.constant 0 : index
    %get3A_205 = arith.constant 0 : index
    %get3A_206 = vector.load %arg4[%get3A_204, %get3A_205] : memref<1x128xf32, #tpu.memory_space<vmem>>, vector<1x128xf32>
    %add3A_207 = vector.broadcast %get3A_206 : vector<1x128xf32> to vector<1024x128xf32>
    %add3A_208 = arith.addf %add3A_203, %add3A_207 : vector<1024x128xf32>
    %max3A_209 = arith.constant 0.000000e+00 : f32
    %max3A_210 = vector.broadcast %max3A_209 : f32 to vector<1024x128xf32>
    %max3A_211 = arith.maximumf %add3A_208, %max3A_210 : vector<1024x128xf32>
    %swap3A_212 = arith.constant 6 : index
    %swap3A_213 = arith.constant 0 : index
    %swap3A_214 = arith.constant 0 : index
    %swap3A_215 = vector.load %arg5[%swap3A_212, %swap3A_213, %swap3A_214] : memref<8x1024x128xf32, #tpu.memory_space<vmem>>, vector<1x1024x128xf32>
    %swap3A_216 = vector.shape_cast %swap3A_215 : vector<1x1024x128xf32> to vector<1024x128xf32>
    %swap3A_217 = vector.shape_cast %max3A_211 : vector<1024x128xf32> to vector<1x1024x128xf32>
    tpu.vector_store %arg5[%swap3A_212, %swap3A_213, %swap3A_214], %swap3A_217 {strides = array<i32>} : memref<8x1024x128xf32, #tpu.memory_space<vmem>>, vector<1x1024x128xf32>,
    %get3A_218 = arith.constant 7 : index
    %get3A_219 = arith.constant 0 : index
    %get3A_220 = arith.constant 0 : index
    %get3A_221 = vector.load %arg1[%get3A_218, %get3A_219, %get3A_220] : memref<8x128x2048xf32, #tpu.memory_space<vmem>>, vector<1x128x2048xf32>
    %get3A_222 = vector.shape_cast %get3A_221 : vector<1x128x2048xf32> to vector<128x2048xf32>
    %slice3A_223 = vector.extract_strided_slice %get3A_222 {offsets = [0, 0], sizes = [128, 1024], strides = [1, 1]} : vector<128x2048xf32> to vector<128x1024xf32>
    %slice3A_224 = vector.extract_strided_slice %get3A_222 {offsets = [0, 1024], sizes = [128, 1024], strides = [1, 1]} : vector<128x2048xf32> to vector<128x1024xf32>
    %get3A_225 = arith.constant 0 : index
    %get3A_226 = arith.constant 0 : index
    %get3A_227 = vector.load %arg2[%get3A_225, %get3A_226] : memref<128x128xf32, #tpu.memory_space<vmem>>, vector<128x128xf32>
    %dot_general3A_228 = arith.constant dense<0.000000e+00> : vector<1024x128xf32>
    %dot_general3A_229 = tpu.matmul %slice3A_223, %get3A_227, %dot_general3A_228 {dimension_numbers = #tpu.dot_dimension_numbers<[0], [0], [1], [1], [0, 1, 1, 1], [], []>, transpose_lhs_hint = false} : vector<128x1024xf32>, vector<128x128xf32>, vector<1024x128xf32> -> vector<1024x128xf32>
    %get3A_230 = arith.constant 0 : index
    %get3A_231 = arith.constant 0 : index
    %get3A_232 = vector.load %arg3[%get3A_230, %get3A_231] : memref<128x128xf32, #tpu.memory_space<vmem>>, vector<128x128xf32>
    %dot_general3A_233 = arith.constant dense<0.000000e+00> : vector<1024x128xf32>
    %dot_general3A_234 = tpu.matmul %slice3A_224, %get3A_232, %dot_general3A_233 {dimension_numbers = #tpu.dot_dimension_numbers<[0], [0], [1], [1], [0, 1, 1, 1], [], []>, transpose_lhs_hint = false} : vector<128x1024xf32>, vector<128x128xf32>, vector<1024x128xf32> -> vector<1024x128xf32>
    %add3A_235 = arith.addf %dot_general3A_229, %dot_general3A_234 : vector<1024x128xf32>
    %get3A_236 = arith.constant 0 : index
    %get3A_237 = arith.constant 0 : index
    %get3A_238 = vector.load %arg4[%get3A_236, %get3A_237] : memref<1x128xf32, #tpu.memory_space<vmem>>, vector<1x128xf32>
    %add3A_239 = vector.broadcast %get3A_238 : vector<1x128xf32> to vector<1024x128xf32>
    %add3A_240 = arith.addf %add3A_235, %add3A_239 : vector<1024x128xf32>
    %max3A_241 = arith.constant 0.000000e+00 : f32
    %max3A_242 = vector.broadcast %max3A_241 : f32 to vector<1024x128xf32>
    %max3A_243 = arith.maximumf %add3A_240, %max3A_242 : vector<1024x128xf32>
    %swap3A_244 = arith.constant 7 : index
    %swap3A_245 = arith.constant 0 : index
    %swap3A_246 = arith.constant 0 : index
    %swap3A_247 = vector.load %arg5[%swap3A_244, %swap3A_245, %swap3A_246] : memref<8x1024x128xf32, #tpu.memory_space<vmem>>, vector<1x1024x128xf32>
    %swap3A_248 = vector.shape_cast %swap3A_247 : vector<1x1024x128xf32> to vector<1024x128xf32>
    %swap3A_249 = vector.shape_cast %max3A_243 : vector<1024x128xf32> to vector<1x1024x128xf32>
    tpu.vector_store %arg5[%swap3A_244, %swap3A_245, %swap3A_246], %swap3A_249 {strides = array<i32>} : memref<8x1024x128xf32, #tpu.memory_space<vmem>>, vector<1x1024x128xf32>,
    return
  }
  func.func @transform_0(%arg0: i32) -> (i32, i32, i32) {
    %c0_i32 = arith.constant 0 : i32
    %c0_i32_0 = arith.constant 0 : i32
    %c0_i32_1 = arith.constant 0 : i32
    return %arg0, %c0_i32, %c0_i32_0 : i32, i32, i32
  }
  func.func @transform_1(%arg0: i32) -> (i32, i32) {
    %c0_i32 = arith.constant 0 : i32
    %c0_i32_0 = arith.constant 0 : i32
    %c0_i32_1 = arith.constant 0 : i32
    return %c0_i32, %c0_i32_0 : i32, i32
  }
  func.func @transform_2(%arg0: i32) -> (i32, i32) {
    %c0_i32 = arith.constant 0 : i32
    %c0_i32_0 = arith.constant 0 : i32
    %c0_i32_1 = arith.constant 0 : i32
    return %c0_i32, %c0_i32_0 : i32, i32
  }
  func.func @transform_3(%arg0: i32) -> (i32, i32) {
    %c0_i32 = arith.constant 0 : i32
    %c0_i32_0 = arith.constant 0 : i32
    %c0_i32_1 = arith.constant 0 : i32
    return %c0_i32, %c0_i32_0 : i32, i32
  }
  func.func @transform_4(%arg0: i32) -> (i32, i32, i32) {
    %c0_i32 = arith.constant 0 : i32
    %c0_i32_0 = arith.constant 0 : i32
    %c0_i32_1 = arith.constant 0 : i32
    return %arg0, %c0_i32, %c0_i32_0 : i32, i32, i32
  }
}

</mosaic_0001>

<sc_bundles>
// kernel: kernel.5.cloned.1.call-start
scs
__scs_entry_jumppad:
0x0: {  	(pc) =	sbr.rel $0x88, $3  }
0x1: {  	(tag) =	ssettag $0x0;
	lr =	simm.s32 $0x1  }
0x2: {  	[smem:$0x3F9B] =	sst lr;
	_ =	strace $0xD0000000  }
0x3: {  	_ = 	snop  }
0x4: {  	_ = 	snop  }
0x5: {  	_ = 	snop  }
0x6: {  	_ = 	snop  }
0x7: {  	_ = 	snop  }
__scs_overlays_trampoline_lowered:
0x8: {  	[smem:$0x3FAA] =	sst s0  }
0x9: {  	[smem:$0x3FAB] =	sst s1  }
0xa: {  	[smem:$0x3FAC] =	sst s2  }
0xb: {  	[smem:$0x3FAD] =	sst s3  }
0xc: {  	[smem:$0x3FAE] =	sst s4  }
0xd: {  	[smem:$0x3FAF] =	sst s5  }
0xe: {  	[smem:$0x3FB0] =	sst s6  }
0xf: {  	[smem:$0x3FB1] =	sst s7  }
0x10: {  	[smem:$0x3FB2] =	sst s8  }
0x11: {  	[smem:$0x3FB3] =	sst s9;
	s0 =	simm.s32 @!p0 $0x0  }
0x12: {  	s1 =	sld [smem:$0x3F99];
	s0 =	simm.s32 @p0 $0x1  }
0x13: {  	[smem:$0x3FB4] =	sst s0;
	s0 =	simm.s32 @!p1 $0x0  }
0x14: {  	s2 =	sld [smem:$0x3F98];
	s0 =	simm.s32 @p1 $0x1  }
0x15: {  	[smem:$0x3FB5] =	sst s0;
	s0 =	simm.s32 @!p2 $0x0  }
0x16: {  	s3 =	sld [smem:$0x3FDB];
	s0 =	simm.s32 @p2 $0x1  }
0x17: {  	s4 =	simm.s32 $0x1BF5;
	[smem:$0x3FB7] =	sst s0  }
0x18: {  	s0 =	sld [smem:$0x3F9A];
	_ =	swait.ge [sflag:s4], $0x0  }
0x19: {  	s7 =	sld [smem:$0x3F9B]  }
0x1a: {  	s8 =	sadd.s32 $0xFFFFE003, lr  }
0x1b: {  	s9 =	sadd.s32 $0xFFFFFEF7, lr;
	s5 =	simm.s32 $0xFFFFFFFF;
	p2 =	slt.u32 s8, $0xFFFFF086  }
0x1c: {  	p1 =	slt.u32 s9, $0xF7A;
	s5 =	simm.s32 @!p2 $0x0  }
0x1d: {  	s5 =	simm.s32 @p1 $0x1;
	p0 =	seq.s32 s7, s2  }
0x1e: {  	s7 =	smul.u32 @!p0 $0xF7A, s2;
	p2 =	seq.s32 @!p0 s5, $0x0  }
0x1f: {  	s9 =	smul.u32 $0xF7A, s1;
	s8 =	simm.s32 @!p0 $0x1BF5;
	p2 =	por !p2, p0  }
0x20: {  	[sflag:s8] =	ssyncset.s32 @!p0 $0xFFFFF086;
	s6 =	sadd.s32 @!p0 s3, s7;
	s7 =	simm.s32 @!p0 $0x108  }
0x21: {  	s3 =	sadd.s32 s3, s9;
	s6 =	sadd.s32 @!p0 $0x88, s6;
	s7 =	simm.s32 @p2 $0x1082  }
0x22: {  	[simem:s7], [sflag:s8] =	dma.local @!p0 [hbm:s6], $0xF7A  }
0x23: {  	s9 =	sor.u32 $0xD0000000, s2;
	s6 =	simm.s32 $0x108;
	_ =	swait.ge @!p0 [sflag:s8], $0x0  }
0x24: {  	s3 =	sadd.s32 $0x88, s3;
	s6 =	simm.s32 @!p1 $0x1082;
	[sflag:s4] =	ssyncset.s32 $0xFFFFF086  }
0x25: {  	[simem:s6], [sflag:s4] =	dma.local [hbm:s3], $0xF7A  }
0x26: {  	[smem:$0x3F9B] =	sst s1;
	(tag) =	ssettag s2;
	_ =	strace s9  }
0x27: {  	s1 =	sld [smem:$0x3FAB]  }
0x28: {  	s2 =	sld [smem:$0x3FAC]  }
0x29: {  	s4 =	sld [smem:$0x3FAE]  }
0x2a: {  	p0 =	seq.s32 s5, $0x0;
	s5 =	sld [smem:$0x3FAF]  }
0x2b: {  	s6 =	sld [smem:$0x3FB0]  }
0x2c: {  	s7 =	sld [smem:$0x3FB1]  }
0x2d: {  	s3 =	simm.s32 $0x108;
	s8 =	sld [smem:$0x3FB2]  }
0x2e: {  	s3 =	simm.s32 @!p0 $0x1082;
	s9 =	sld [smem:$0x3FB3]  }
0x2f: {  	lr =	sadd.s32 s0, s3;
	s0 =	sld [smem:$0x3FAA]  }
0x30: {  	s3 =	sld [smem:$0x3FAD]  }
0x31: {  	[smem:$0x3FB6] =	sst s10  }
0x32: {  	s10 =	sld [smem:$0x3FB4];
	_ =	sdelay $0x3  }
0x33: {  	p0 =	seq.s32 s10, $0x1;
	s10 =	sld [smem:$0x3FB6];
	_ =	sdelay $0x3  }
0x34: {  	[smem:$0x3FB6] =	sst s10  }
0x35: {  	s10 =	sld [smem:$0x3FB5];
	_ =	sdelay $0x3  }
0x36: {  	p1 =	seq.s32 s10, $0x1;
	s10 =	sld [smem:$0x3FB6];
	_ =	sdelay $0x3  }
0x37: {  	[smem:$0x3FB6] =	sst s10  }
0x38: {  	s10 =	sld [smem:$0x3FB7]  }
0x39: {  	_ = 	snop;
	(pc) =	sbr.ind lr, $3  }
0x3a: {  	_ = 	snop  }
0x3b: {  	_ = 	snop  }
0x3c: {  	p2 =	seq.s32 s10, $0x1;
	s10 =	sld [smem:$0x3FB6]  }
0x3d: {  	_ =	shalt  }
0x3e: {  	_ =	shalt  }
0x3f: {  	_ =	shalt  }
0x40: {  	_ =	shalt  }
0x41: {  	_ =	shalt  }
0x42: {  	_ =	shalt  }
0x43: {  	_ =	shalt  }
0x44: {  	_ =	shalt  }
0x45: {  	_ =	shalt  }
0x46: {  	_ =	shalt  }
0x47: {  	_ =	shalt  }
0x48: {  	_ =	shalt  }
0x49: {  	_ =	shalt  }
0x4a: {  	_ =	shalt  }
0x4b: {  	_ =	shalt  }
0x4c: {  	_ =	shalt  }
0x4d: {  	_ =	shalt  }
0x4e: {  	_ =	shalt  }
0x4f: {  	_ =	shalt  }
0x50: {  	_ =	shalt  }
0x51: {  	_ =	shalt  }
0x52: {  	_ =	shalt  }
0x53: {  	_ =	shalt  }
0x54: {  	_ =	shalt  }
0x55: {  	_ =	shalt  }
0x56: {  	_ =	shalt  }
0x57: {  	_ =	shalt  }
0x58: {  	_ =	shalt  }
0x59: {  	_ =	shalt  }
0x5a: {  	_ =	shalt  }
0x5b: {  	_ =	shalt  }
0x5c: {  	_ =	shalt  }
0x5d: {  	_ =	shalt  }
0x5e: {  	_ =	shalt  }
0x5f: {  	_ =	shalt  }
0x60: {  	_ =	shalt  }
0x61: {  	_ =	shalt  }
0x62: {  	_ =	shalt  }
0x63: {  	_ =	shalt  }
0x64: {  	_ =	shalt  }
0x65: {  	_ =	shalt  }
0x66: {  	_ =	shalt  }
0x67: {  	_ =	shalt  }
0x68: {  	_ =	shalt  }
0x69: {  	_ =	shalt  }
0x6a: {  	_ =	shalt  }
0x6b: {  	_ =	shalt  }
0x6c: {  	_ =	shalt  }
0x6d: {  	_ =	shalt  }
0x6e: {  	_ =	shalt  }
0x6f: {  	_ =	shalt  }
0x70: {  	_ =	shalt  }
0x71: {  	_ =	shalt  }
0x72: {  	_ =	shalt  }
0x73: {  	_ =	shalt  }
0x74: {  	_ =	shalt  }
0x75: {  	_ =	shalt  }
0x76: {  	_ =	shalt  }
0x77: {  	_ =	shalt  }
0x78: {  	_ =	shalt  }
0x79: {  	_ =	shalt  }
0x7a: {  	_ =	shalt  }
0x7b: {  	_ =	shalt  }
0x7c: {  	_ =	shalt  }
0x7d: {  	_ =	shalt  }
0x7e: {  	_ =	shalt  }
0x7f: {  	_ =	shalt  }
0x80: {  	_ =	shalt  }
0x81: {  	_ =	shalt  }
0x82: {  	_ =	shalt  }
0x83: {  	_ =	shalt  }
0x84: {  	_ =	shalt  }
0x85: {  	_ =	shalt  }
0x86: {  	_ =	shalt  }
0x87: {  	_ =	shalt  }
.Lfunc_end0:
.L_simem_size_0:
called_computation_lowered:
.L_overlay_start_0:
0x88: {  	s2 =	sld [smem:$0x3FD9]  }
0x89: {  	s3 =	sld [smem:$0x3FFE];
	_ =	sdelay $0x1  }
0x8a: {  	s1 =	srdreg.scid  }
0x8b: {  	s0 =	sand.u32 $0x1, s1  }
0x8c: {  	s17 =	sshll.u32 s0, $0xA;
	s2 =	sadd.s32 s3, s2  }
0x8d: {  	s2 =	sadd.s32 s2, s17  }
0x8e: {  	[smem:$0x3FC2] =	sst s2  }
0x8f: {  	_ = 	snop  }
0x90: {  	s2 =	sld [smem:$0x3FC8];
	(tm) =	ssettm $0x1  }
0x91: {  	s18 =	sld [smem:$0x3FFB];
	_ =	sdelay $0x3  }
0x92: {  	_ =	strace s18  }
0x93: {  	s3 =	sld [smem:$0x3FFC];
	_ =	sdelay $0x3  }
0x94: {  	_ =	strace s3  }
0x95: {  	s3 =	sld [smem:$0x3FFD];
	_ =	sdelay $0x3  }
0x96: {  	_ =	strace s3  }
0x97: {  	_ =	strace $0x8FFFFFFF  }
0x98: {  	s19 =	sld [smem:$0x3FDB];
	_ =	sdelay $0x1  }
0x99: {  	s4 =	simm.s32 $_scs_section_size  }
0x9a: {  	s5 =	simm.s32 $_size__tile_overlayer_lowered;
	s6 =	simm.s32 $_tile_overlayer_lowered  }
0x9b: {  	s22 =	simm.s32 $0x1BFF;
	s21 =	sshll.u32 s6, $0x1;
	s3 =	sadd.s32 s4, s19  }
0x9c: {  	s7 =	simm.s32 $0x0;
	s20 =	sshll.u32 s5, $0x1;
	s5 =	sadd.s32 s21, s3  }
0x9d: {  	[timem:s7], [sflag:s22] =	dma.local [hbm:s5], s20  }
0x9e: {  	_ =	swait.ge [sflag:s22], s20  }
0x9f: {  	s4 =	ssub.s32 $0x0, s20;
	[sflag:s22] =	ssyncset.done $0x0  }
0xa0: {  	[sflag:s22] =	ssyncadd.s32 s4;
	_ =	sdelay $0x1  }
0xa1: {  	s23 =	simm.s32 $0x1B8B  }
0xa2: {  	_ =	swait.ge [sflag:s23], $0x1  }
0xa3: {  	[sflag:s23] =	ssyncset.done $0x0  }
0xa4: {  	s25 =	simm.s32 $0x1B8E;
	s24 =	sld [smem:$0x3FFE];
	[sflag:s23] =	ssyncadd.s32 $0xFFFFFFFF  }
0xa5: {  	s26 =	simm.s32 $execute0_lowered;
	[smem:$0x3FD2] =	sst s25  }
0xa6: {  	s5 =	sshll.u32 s26, $0x1;
	_ =	strace $0x80000046;
	[dreg:$0x1] =	wrdreg $0xFFFFFFFF  }
0xa7: {  	s28 =	simm.s32 $_size_execute0_lowered;
	s3 =	sadd.s32 s3, s5;
	[dreg:$0x0] =	wrdreg $0x0  }
0xa8: {  	s5 =	sshll.u32 s28, $0x1;
	[dreg:$0x2] =	wrdreg s3  }
0xa9: {  	[dreg:$0x3] =	wrdreg s5  }
0xaa: {  	[dreg:$0x4] =	wrdreg $0xC0  }
0xab: {  	_ =	task [dreg:s7], $0x5FFFF  }
0xac: {  	[dreg:$0x1] =	wrdreg $0xFFFFFFFF  }
0xad: {  	[dreg:$0x0] =	wrdreg $0x60  }
0xae: {  	[dreg:$0x2] =	wrdreg s2  }
0xaf: {  	[dreg:$0x3] =	wrdreg s24  }
0xb0: {  	[dreg:$0x4] =	wrdreg $0x9  }
0xb1: {  	_ =	task.clear_ibuf [dreg:s7], $0x5FFFF;
	_ =	strace $0x90000046  }
0xb2: {  	s29 =	simm.s32 $0x9;
	_ =	strace $0x80000048  }
0xb3: {  	_ =	swait.ge [sflag:s29], $0x1  }
0xb4: {  	[sflag:s29] =	ssyncadd.s32 $0xFFFFFFFF  }
0xb5: {  	_ =	strace $0x90000048  }
0xb6: {  	_ =	sfence  }
0xb7: {  	s30 =	sld [smem:$0x0];
	_ =	sdelay $0x2  }
0xb8: {  	s31 =	sshll.u32 s1, $0xD;
	s1 =	sshrl.u32 s1, $0x2  }
0xb9: {  	s3 =	sand.u32 $0x4000, s31;
	s1 =	sadd.s32 s1, s30  }
0xba: {  	s0 =	sor.u32 s3, s0;
	s1 =	sshll.u32 s1, $0x11  }
0xbb: {  	s0 =	sor.u32 s1, s0  }
0xbc: {  	s0 =	sadd.s32 $0x8F2B, s0  }
0xbd: {  	[sflag:s0] =	ssyncadd.remote.s32 $0x1  }
0xbe: {  	_ =	sfence.sel $0xFFFF  }
0xbf: {  	[dreg:$0x0] =	wrdreg $0xFFFFFFFF;
	(pc) =	sbr.abs _section_cstart, $3  }
0xc0: {  	[dreg:$0x1] =	wrdreg $0xFFFFFFFF  }
0xc1: {  	_ =	task.clear_ibuf [dreg:s7], $0x2FFFF;
	_ =	strace $0x9FFFFFFF  }
0xc2: {  	(tm) =	ssettm $0x7FFFFFFF  }
0xc3: {  	_ =	shalt  }
tec
execute0_lowered:
.L_overlay_start_1:
0x0: {  	(tag) =	ssettag $0x1  }
0x1: {  	s3 =	rddreg [dreg:$0x0]  }
0x2: {  	s1 =	srdreg.scid;
	s0 =	stileid.u32  }
0x3: {  	s6 =	rddreg [dreg:$0x1];
	s7 =	sand.u32 $0x1, s1;
	s4 =	sshll.u32 s0, $0x1  }
0x4: {  	s2 =	simm.s32 $0x0;
	s1 =	rddreg [dreg:$0x2];
	s5 =	sor.u32 s7, s4  }
0x5: {  	[smem:$0x7FF] =	sst s2;
	s4 =	sshll.u32 s5, $0x4  }
0x6: {  	_ =	strace $0x80000047;
	s10 =	sadd.s32 s3, s4;
	s3 =	simm.s32 $0x2  }
0x7: {  	[tilespmem:s2], [sflag:$0x2] =	stream.linear.gather [hbm4b:s10+s2], $0x80, $0x38;
	[tilespmem:$0x4200] =	vst v63  }
0x8: {  	_ =	swait.ge [sflag:s3], $0x80  }
0x9: {  	[sflag:s3] =	ssyncset.done $0x0  }
0xa: {  	s4 =	simm.s32 $0x80;
	s11 =	sadd.s32 $0x200, s10;
	[sflag:s3] =	ssyncadd.s32 $0xFFFFFF80  }
0xb: {  	[tilespmem:s4], [sflag:$0x2] =	stream.linear.gather [hbm4b:s11+s2], $0x80, $0x38;
	[tilespmem:$0x4200] =	vst v63  }
0xc: {  	_ =	swait.ge [sflag:s3], $0x80  }
0xd: {  	[sflag:s3] =	ssyncset.done $0x0  }
0xe: {  	s13 =	simm.s32 $0x100;
	s12 =	sadd.s32 $0x400, s10;
	[sflag:s3] =	ssyncadd.s32 $0xFFFFFF80  }
0xf: {  	[tilespmem:s13], [sflag:$0x2] =	stream.linear.gather [hbm4b:s12+s2], $0x80, $0x38;
	[tilespmem:$0x4200] =	vst v63  }
0x10: {  	_ =	swait.ge [sflag:s3], $0x80  }
0x11: {  	[sflag:s3] =	ssyncset.done $0x0  }
0x12: {  	[sflag:s3] =	ssyncadd.s32 $0xFFFFFF80  }
0x13: {  	v1 =	vld [tilespmem:$0x150]  }
0x14: {  	v0 =	vld [tilespmem:$0x110]  }
0x15: {  	v2 =	vld [tilespmem:$0xD0]  }
0x16: {  	v3 =	vld [tilespmem:$0x90]  }
0x17: {  	v4 =	vld [tilespmem:$0x50]  }
0x18: {  	v5 =	vld [tilespmem:$0x80]  }
0x19: {  	v8 =	vld [tilespmem:$0x100]  }
0x1a: {  	v10 =	vld [tilespmem:$0x20];
	_ =	sdelay $0x1  }
0x1b: {  	s8 =	sshll.u32 s5, $0xA;
	v6 =	vmax.f32 v0, $0.0e+00  }
0x1c: {  	v0 =	vmov s8;
	v2 =	vmax.f32 v2, $0.0e+00;
	v3 =	vmax.f32 v3, $0.0e+00  }
0x1d: {  	v7 =	vld [tilespmem:$0x0];
	v4 =	vmax.f32 v4, $0.0e+00;
	v5 =	vmax.f32 v5, $0.0e+00;
	v1 =	vmax.f32 v1, $0.0e+00  }
0x1e: {  	v15 =	vld [tilespmem:$0x40];
	v8 =	vmax.f32 v8, $0.0e+00;
	v10 =	vmax.f32 v10, $0.0e+00;
	v6 =	vmin.f32 v6, $1.500000000e+01  }
0x1f: {  	v9 =	vld [tilespmem:$0x10];
	v2 =	vmin.f32 v2, $1.500000000e+01;
	v3 =	vmin.f32 v3, $1.500000000e+01;
	v6 =	vtrunc.f32 v6  }
0x20: {  	v11 =	vld [tilespmem:$0xA0];
	v4 =	vmin.f32 v4, $7.000000000e+00;
	v2 =	vtrunc.f32 v2;
	v3 =	vtrunc.f32 v3  }
0x21: {  	v13 =	vld [tilespmem:$0x30];
	v8 =	vmin.f32 v8, $1.500000000e+01;
	v12 =	vcvt.f32.s32 v2;
	v16 =	vcvt.f32.s32 v3  }
0x22: {  	s7 =	ssub.s32 $0x2, s7;
	v18 =	vld [tilespmem:$0xC0];
	v2 =	vmin.f32 v5, $1.500000000e+01;
	v3 =	vtrunc.f32 v4;
	v4 =	vtrunc.f32 v8  }
0x23: {  	s31 =	sshrl.u32 s7, $0x1;
	v20 =	vld [tilespmem:$0x120];
	v19 =	vmax.f32 v15, $0.0e+00;
	v5 =	vtrunc.f32 v2;
	v2 =	vcvt.f32.s32 v6  }
0x24: {  	s7 =	ssub.s32 s7, s31;
	v15 =	vld [tilespmem:$0x130];
	v8 =	vmax.f32 v9, $0.0e+00;
	v17 =	vcvt.f32.s32 v3;
	v9 =	vcvt.f32.s32 v5  }
0x25: {  	s14 =	smax.u32 s7, $0x1;
	v6 =	vld [tilespmem:$0xB0];
	v5 =	vmin.f32 v1, $1.500000000e+01;
	v1 =	vcvt.f32.s32 v4;
	v4 =	vmin.f32 v8, $7.000000000e+00  }
0x26: {  	p0 =	sne.s32 s14, $0x1;
	v7 =	vmax.f32 v7, $0.0e+00;
	v14 =	vmax.f32 v11, $0.0e+00;
	v3 =	vld [tilespmem:$0x60];
	v4 =	vtrunc.f32 v4  }
.Ltmp0:
0x27: {  	v5 =	vtrunc.f32 v5;
	v21 =	vshll.u32 v17, $0x8;
	v17 =	vld [tilespmem:$0x160];
	v11 =	vcvt.f32.s32 v4;
	(pc) =	sbr.rel @!p0 .LBB2_2-.Ltmp0, $4  }
0x28: {  	s9 =	sshll.u32 s5, $0xB;
	v8 =	vld [tilespmem:$0xE0];
	v4 =	vmin.f32 v7, $7.000000000e+00;
	v22 =	vcvt.f32.s32 v5;
	v7 =	vshll.u32 v12, $0x4  }
0x29: {  	s5 =	sadd.s32 $0x1000, s6;
	s6 =	sadd.s32 s9, s6;
	v18 =	vmax.f32 v18, $0.0e+00;
	v12 =	vmin.f32 v19, $7.000000000e+00;
	v19 =	vld [tilespmem:$0x140];
	v21 =	vadd.s32 v21, v7  }
0x2a: {  	s9 =	simm.s32 $0x1;
	s6 =	sadd.s32 $0x81000, s6;
	v7 =	vshll.u32 v16, $0x4;
	v5 =	vshll.u32 v11, $0x8;
	v11 =	vld [tilespmem:$0x70];
	v22 =	vadd.s32 v22, v21  }
0x2b: {  	s7 =	simm.s32 $0x180;
	s14 =	sadd.s32 $0xFFFFFFFF, s14;
	s8 =	simm.s32 $0x200;
	v16 =	vmax.f32 v20, $0.0e+00;
	v21 =	vmax.f32 v13, $0.0e+00;
	v13 =	vld [tilespmem:$0xF0];
	v20 =	vand.u32 $0x3FF, v22  }
.LBB2_1:
0x2c: {  	p0 =	sne.s32 s14, $0x1;
	s14 =	sadd.s32 $0xFFFFFFFF, s14;
	v10 =	vmin.f32 v10, $7.000000000e+00;
	v14 =	vmin.f32 v14, $1.500000000e+01;
	v17 =	vmax.f32 v17, $0.0e+00;
	v22 =	vld [tilespmem:$0x170]  }
0x2d: {  	v9 =	vshll.u32 v9, $0x4;
	v14 =	vtrunc.f32 v14;
	v15 =	vmax.f32 v15, $0.0e+00  }
0x2e: {  	v21 =	vmin.f32 v21, $7.000000000e+00;
	v6 =	vmax.f32 v6, $0.0e+00;
	v17 =	vmin.f32 v17, $1.500000000e+01  }
0x2f: {  	v18 =	vmin.f32 v18, $1.500000000e+01;
	v20 =	vor.u32 v0, v20;
	v19 =	vmax.f32 v19, $0.0e+00  }
0x30: {  	v8 =	vmax.f32 v8, $0.0e+00;
	v10 =	vtrunc.f32 v10;
	v19 =	vmin.f32 v19, $1.500000000e+01;
	[tilespmem:$0x1D0] =	vst v20  }
0x31: {  	v8 =	vmin.f32 v8, $1.500000000e+01;
	v10 =	vcvt.f32.s32 v10;
	v19 =	vtrunc.f32 v19  }
0x32: {  	v16 =	vmin.f32 v16, $1.500000000e+01;
	v14 =	vcvt.f32.s32 v14;
	v19 =	vcvt.f32.s32 v19  }
0x33: {  	v11 =	vmax.f32 v11, $0.0e+00;
	v10 =	vshll.u32 v10, $0x8;
	v20 =	vtrunc.f32 v21  }
0x34: {  	v12 =	vtrunc.f32 v12;
	v8 =	vtrunc.f32 v8;
	v14 =	vshll.u32 v14, $0x4  }
0x35: {  	v8 =	vcvt.f32.s32 v8;
	v13 =	vmax.f32 v13, $0.0e+00;
	v10 =	vadd.s32 v10, v14  }
0x36: {  	v3 =	vmax.f32 v3, $0.0e+00;
	v6 =	vmin.f32 v6, $1.500000000e+01;
	v13 =	vmin.f32 v13, $1.500000000e+01  }
0x37: {  	v14 =	vtrunc.f32 v16;
	v8 =	vshll.u32 v8, $0x4;
	v13 =	vtrunc.f32 v13  }
0x38: {  	v15 =	vmin.f32 v15, $1.500000000e+01;
	v14 =	vcvt.f32.s32 v14;
	v13 =	vcvt.f32.s32 v13  }
0x39: {  	v4 =	vtrunc.f32 v4;
	v5 =	vadd.s32 v5, v7;
	v7 =	vcvt.f32.s32 v12  }
0x3a: {  	v4 =	vcvt.f32.s32 v4;
	v12 =	vtrunc.f32 v18;
	v11 =	vmin.f32 v11, $7.000000000e+00  }
0x3b: {  	v15 =	vtrunc.f32 v15;
	v16 =	vtrunc.f32 v17;
	v17 =	vmax.f32 v22, $0.0e+00  }
0x3c: {  	v2 =	vadd.s32 v2, v5;
	v3 =	vmin.f32 v3, $7.000000000e+00;
	v5 =	vcvt.f32.s32 v16  }
0x3d: {  	v6 =	vtrunc.f32 v6;
	v15 =	vcvt.f32.s32 v15;
	v13 =	vshll.u32 v13, $0x4  }
0x3e: {  	v6 =	vcvt.f32.s32 v6;
	v7 =	vshll.u32 v7, $0x8;
	v11 =	vtrunc.f32 v11  }
0x3f: {  	v2 =	vand.u32 $0x3FF, v2;
	v3 =	vtrunc.f32 v3;
	v16 =	vcvt.f32.s32 v20  }
0x40: {  	v2 =	vor.u32 v0, v2;
	v10 =	vadd.s32 v14, v10;
	v14 =	vmin.f32 v17, $1.500000000e+01  }
0x41: {  	v4 =	vshll.u32 v4, $0x8;
	[tilespmem:$0x190] =	vst v2;
	v2 =	vand.u32 $0x3FF, v10;
	v10 =	vcvt.f32.s32 v12  }
0x42: {  	v11 =	vcvt.f32.s32 v11;
	v12 =	vshll.u32 v16, $0x8;
	v2 =	vor.u32 v0, v2  }
0x43: {  	v3 =	vcvt.f32.s32 v3;
	v4 =	vadd.s32 v4, v9;
	[tilespmem:$0x1A0] =	vst v2;
	v2 =	vshll.u32 v10, $0x4  }
0x44: {  	v9 =	vshll.u32 v11, $0x8;
	v2 =	vadd.s32 v7, v2;
	v7 =	vtrunc.f32 v14  }
0x45: {  	v3 =	vshll.u32 v3, $0x8;
	v2 =	vadd.s32 v19, v2;
	v7 =	vcvt.f32.s32 v7  }
0x46: {  	v6 =	vshll.u32 v6, $0x4;
	v3 =	vadd.s32 v3, v8;
	v2 =	vand.u32 $0x3FF, v2  }
0x47: {  	v3 =	vadd.s32 v5, v3;
	v5 =	vadd.s32 v9, v13;
	v2 =	vor.u32 v0, v2  }
0x48: {  	v1 =	vadd.s32 v1, v4;
	v4 =	vadd.s32 v12, v6;
	[tilespmem:$0x1C0] =	vst v2;
	v2 =	vand.u32 $0x3FF, v3  }
0x49: {  	v1 =	vand.u32 $0x3FF, v1;
	v3 =	vadd.s32 v7, v5;
	v2 =	vor.u32 v0, v2  }
0x4a: {  	v1 =	vor.u32 v0, v1;
	v4 =	vadd.s32 v15, v4;
	[tilespmem:$0x1E0] =	vst v2;
	v2 =	vand.u32 $0x3FF, v3  }
0x4b: {  	v3 =	vand.u32 $0x3FF, v4;
	v2 =	vor.u32 v0, v2  }
0x4c: {  	v3 =	vor.u32 v0, v3;
	[tilespmem:$0x1F0] =	vst v2  }
0x4d: {  	[tilespmem:$0x180] =	vst v1;
	_ =	sdelay $0x3  }
0x4e: {  	[tilespmem:$0x1B0] =	vst v3  }
0x4f: {  	[tilespmem:s8], [sflag:$0x1] =	stream.indirect.gather [hbm4b:s5+s4], $0x80, s7, s4, $0xb8;
	[tilespmem:$0x4200] =	vst v63  }
0x50: {  	_ =	swait.ge [sflag:s9], $0x4000  }
0x51: {  	[sflag:s9] =	ssyncset.done $0x0  }
0x52: {  	[sflag:s9] =	ssyncadd.s32 $0xFFFFC000  }
0x53: {  	[hbm4b:s6+s2] =	stream.linear.scatter [tilespmem:s8], [sflag:$0x2], $0x4000, $0x38;
	[tilespmem:$0x4200] =	vst v63  }
0x54: {  	_ =	swait.ge [sflag:s3], $0x4000  }
0x55: {  	[sflag:s3] =	ssyncset.done $0x0  }
0x56: {  	[sflag:s3] =	ssyncadd.s32 $0xFFFFC000  }
0x57: {  	[tilespmem:s2], [sflag:$0x2] =	stream.linear.gather [hbm4b:s10+s2], $0x80, $0x38;
	[tilespmem:$0x4200] =	vst v63  }
0x58: {  	_ =	swait.ge [sflag:s3], $0x80  }
0x59: {  	[sflag:s3] =	ssyncset.done $0x0  }
0x5a: {  	[sflag:s3] =	ssyncadd.s32 $0xFFFFFF80  }
0x5b: {  	[tilespmem:s4], [sflag:$0x2] =	stream.linear.gather [hbm4b:s11+s2], $0x80, $0x38;
	[tilespmem:$0x4200] =	vst v63  }
0x5c: {  	_ =	swait.ge [sflag:s3], $0x80  }
0x5d: {  	[sflag:s3] =	ssyncset.done $0x0  }
0x5e: {  	[sflag:s3] =	ssyncadd.s32 $0xFFFFFF80  }
0x5f: {  	[tilespmem:s13], [sflag:$0x2] =	stream.linear.gather [hbm4b:s12+s2], $0x80, $0x38;
	[tilespmem:$0x4200] =	vst v63  }
0x60: {  	_ =	swait.ge [sflag:s3], $0x80  }
0x61: {  	[sflag:s3] =	ssyncset.done $0x0  }
0x62: {  	[sflag:s3] =	ssyncadd.s32 $0xFFFFFF80  }
0x63: {  	v1 =	vld [tilespmem:$0x150]  }
0x64: {  	v2 =	vld [tilespmem:$0x110]  }
0x65: {  	v3 =	vld [tilespmem:$0xD0]  }
0x66: {  	v4 =	vld [tilespmem:$0x90]  }
0x67: {  	v5 =	vld [tilespmem:$0x50]  }
0x68: {  	v6 =	vld [tilespmem:$0x80]  }
0x69: {  	v7 =	vld [tilespmem:$0x0];
	v2 =	vmax.f32 v2, $0.0e+00  }
0x6a: {  	v8 =	vld [tilespmem:$0x100];
	v2 =	vmin.f32 v2, $1.500000000e+01;
	v3 =	vmax.f32 v3, $0.0e+00  }
0x6b: {  	v9 =	vld [tilespmem:$0x10];
	v4 =	vmax.f32 v4, $0.0e+00;
	v2 =	vtrunc.f32 v2;
	v3 =	vmin.f32 v3, $1.500000000e+01  }
0x6c: {  	v4 =	vmin.f32 v4, $1.500000000e+01;
	v10 =	vld [tilespmem:$0x20];
	v5 =	vmax.f32 v5, $0.0e+00;
	v3 =	vtrunc.f32 v3  }
0x6d: {  	v6 =	vmax.f32 v6, $0.0e+00;
	v11 =	vld [tilespmem:$0xA0];
	v5 =	vmin.f32 v5, $7.000000000e+00;
	v12 =	vcvt.f32.s32 v3  }
0x6e: {  	v1 =	vmax.f32 v1, $0.0e+00;
	v4 =	vtrunc.f32 v4;
	v3 =	vmin.f32 v6, $1.500000000e+01;
	v13 =	vld [tilespmem:$0x30]  }
0x6f: {  	v2 =	vcvt.f32.s32 v2;
	v3 =	vtrunc.f32 v3;
	v8 =	vmax.f32 v8, $0.0e+00;
	v6 =	vld [tilespmem:$0xB0]  }
0x70: {  	v16 =	vcvt.f32.s32 v4;
	v5 =	vtrunc.f32 v5;
	v8 =	vmin.f32 v8, $1.500000000e+01;
	v4 =	vld [tilespmem:$0x40]  }
0x71: {  	v5 =	vcvt.f32.s32 v5;
	v14 =	vmax.f32 v9, $0.0e+00;
	v8 =	vtrunc.f32 v8;
	v18 =	vld [tilespmem:$0xC0]  }
0x72: {  	v15 =	vmin.f32 v1, $1.500000000e+01;
	v9 =	vcvt.f32.s32 v3;
	v10 =	vmax.f32 v10, $0.0e+00;
	v3 =	vld [tilespmem:$0x60]  }
0x73: {  	v7 =	vmax.f32 v7, $0.0e+00;
	v14 =	vmin.f32 v14, $7.000000000e+00;
	v1 =	vcvt.f32.s32 v8;
	v8 =	vld [tilespmem:$0xE0]  }
0x74: {  	v17 =	vtrunc.f32 v14;
	v14 =	vmax.f32 v11, $0.0e+00;
	v11 =	vtrunc.f32 v15;
	v20 =	vld [tilespmem:$0x120]  }
.Ltmp1:
0x75: {  	v22 =	vshll.u32 v5, $0x8;
	v19 =	vcvt.f32.s32 v17;
	v21 =	vmax.f32 v4, $0.0e+00;
	v17 =	vld [tilespmem:$0x160];
	(pc) =	sbr.rel @p0 .LBB2_1-.Ltmp1, $4  }
0x76: {  	v23 =	vcvt.f32.s32 v11;
	v4 =	vmin.f32 v7, $7.000000000e+00;
	v7 =	vshll.u32 v12, $0x4;
	v15 =	vld [tilespmem:$0x130]  }
0x77: {  	v5 =	vshll.u32 v19, $0x8;
	v18 =	vmax.f32 v18, $0.0e+00;
	v22 =	vadd.s32 v22, v7;
	v11 =	vld [tilespmem:$0x70]  }
0x78: {  	v7 =	vshll.u32 v16, $0x4;
	v12 =	vmin.f32 v21, $7.000000000e+00;
	v22 =	vadd.s32 v23, v22;
	v19 =	vld [tilespmem:$0x140]  }
0x79: {  	v21 =	vmax.f32 v13, $0.0e+00;
	v16 =	vmax.f32 v20, $0.0e+00;
	v20 =	vand.u32 $0x3FF, v22;
	v13 =	vld [tilespmem:$0xF0]  }
.LBB2_2:
0x7a: {  	v10 =	vmin.f32 v10, $7.000000000e+00;
	v14 =	vmin.f32 v14, $1.500000000e+01;
	v17 =	vmax.f32 v17, $0.0e+00  }
0x7b: {  	v9 =	vshll.u32 v9, $0x4;
	v21 =	vmin.f32 v21, $7.000000000e+00;
	v6 =	vmax.f32 v6, $0.0e+00  }
0x7c: {  	v18 =	vmin.f32 v18, $1.500000000e+01;
	v20 =	vor.u32 v0, v20;
	v16 =	vmin.f32 v16, $1.500000000e+01  }
0x7d: {  	v12 =	vtrunc.f32 v12;
	v3 =	vmax.f32 v3, $0.0e+00;
	v4 =	vtrunc.f32 v4  }
0x7e: {  	v5 =	vadd.s32 v5, v7;
	v14 =	vtrunc.f32 v14;
	v15 =	vmax.f32 v15, $0.0e+00  }
0x7f: {  	v17 =	vmin.f32 v17, $1.500000000e+01;
	v10 =	vtrunc.f32 v10;
	v21 =	vtrunc.f32 v21  }
0x80: {  	v8 =	vmax.f32 v8, $0.0e+00;
	v16 =	vtrunc.f32 v16;
	v47 =	vcvt.f32.s32 v12  }
0x81: {  	v6 =	vmin.f32 v6, $1.500000000e+01;
	v4 =	vcvt.f32.s32 v4;
	v48 =	vtrunc.f32 v18  }
0x82: {  	v2 =	vadd.s32 v2, v5;
	v3 =	vmin.f32 v3, $7.000000000e+00;
	v10 =	vcvt.f32.s32 v10  }
0x83: {  	v8 =	vmin.f32 v8, $1.500000000e+01;
	v14 =	vcvt.f32.s32 v14;
	v16 =	vcvt.f32.s32 v16  }
0x84: {  	v15 =	vmin.f32 v15, $1.500000000e+01;
	v17 =	vtrunc.f32 v17;
	v6 =	vtrunc.f32 v6  }
0x85: {  	v2 =	vand.u32 $0x3FF, v2;
	v50 =	vcvt.f32.s32 v21;
	v3 =	vtrunc.f32 v3  }
0x86: {  	v12 =	vcvt.f32.s32 v48;
	v19 =	vmax.f32 v19, $0.0e+00;
	v8 =	vtrunc.f32 v8  }
0x87: {  	v11 =	vmax.f32 v11, $0.0e+00;
	v15 =	vtrunc.f32 v15;
	v49 =	vcvt.f32.s32 v17  }
0x88: {  	v6 =	vcvt.f32.s32 v6;
	v7 =	vshll.u32 v47, $0x8;
	v2 =	vor.u32 v0, v2  }
0x89: {  	v46 =	vld [tilespmem:$0x170];
	v4 =	vshll.u32 v4, $0x8;
	v3 =	vcvt.f32.s32 v3;
	v19 =	vmin.f32 v19, $1.500000000e+01  }
0x8a: {  	v10 =	vshll.u32 v10, $0x8;
	v14 =	vshll.u32 v14, $0x4;
	v8 =	vcvt.f32.s32 v8  }
0x8b: {  	v13 =	vmax.f32 v13, $0.0e+00;
	v11 =	vmin.f32 v11, $7.000000000e+00;
	v15 =	vcvt.f32.s32 v15  }
0x8c: {  	v51 =	vshll.u32 v50, $0x8;
	v4 =	vadd.s32 v4, v9;
	v52 =	vshll.u32 v12, $0x4  }
0x8d: {  	v19 =	vtrunc.f32 v19;
	v10 =	vadd.s32 v10, v14;
	v13 =	vmin.f32 v13, $1.500000000e+01  }
0x8e: {  	v14 =	vmax.f32 v46, $0.0e+00;
	v11 =	vtrunc.f32 v11;
	v7 =	vadd.s32 v7, v52  }
0x8f: {  	v3 =	vshll.u32 v3, $0x8;
	v6 =	vshll.u32 v6, $0x4;
	v1 =	vadd.s32 v1, v4  }
0x90: {  	v19 =	vcvt.f32.s32 v19;
	v8 =	vshll.u32 v8, $0x4;
	v13 =	vtrunc.f32 v13  }
0x91: {  	v10 =	vadd.s32 v16, v10;
	v14 =	vmin.f32 v14, $1.500000000e+01;
	v11 =	vcvt.f32.s32 v11  }
0x92: {  	v57 =	vadd.s32 v51, v6;
	v1 =	vand.u32 $0x3FF, v1;
	v13 =	vcvt.f32.s32 v13  }
0x93: {  	v10 =	vand.u32 $0x3FF, v10;
	v53 =	vtrunc.f32 v14;
	v3 =	vadd.s32 v3, v8  }
0x94: {  	[tilespmem:$0x1D0] =	vst v20;
	v60 =	vadd.s32 v15, v57;
	v1 =	vor.u32 v0, v1;
	v10 =	vor.u32 v0, v10  }
0x95: {  	[tilespmem:$0x190] =	vst v2;
	v11 =	vshll.u32 v11, $0x8;
	v7 =	vadd.s32 v19, v7;
	v9 =	vcvt.f32.s32 v53  }
0x96: {  	v3 =	vadd.s32 v49, v3;
	v62 =	vand.u32 $0x3FF, v60;
	[tilespmem:$0x180] =	vst v1;
	v13 =	vshll.u32 v13, $0x4  }
0x97: {  	v7 =	vand.u32 $0x3FF, v7;
	[tilespmem:$0x1A0] =	vst v10;
	v63 =	vor.u32 v0, v62;
	v55 =	vadd.s32 v11, v13  }
0x98: {  	v3 =	vand.u32 $0x3FF, v3;
	v54 =	vor.u32 v0, v7;
	[tilespmem:$0x1B0] =	vst v63;
	v56 =	vadd.s32 v9, v55  }
0x99: {  	v58 =	vor.u32 v0, v3;
	[tilespmem:$0x1C0] =	vst v54;
	v59 =	vand.u32 $0x3FF, v56  }
0x9a: {  	[tilespmem:$0x1E0] =	vst v58;
	v61 =	vor.u32 v0, v59  }
0x9b: {  	[tilespmem:$0x1F0] =	vst v61  }
0x9c: {  	[tilespmem:s8], [sflag:$0x1] =	stream.indirect.gather [hbm4b:s5+s4], $0x80, s7, s4, $0xb8;
	[tilespmem:$0x4200] =	vst v63  }
0x9d: {  	_ =	swait.ge [sflag:s9], $0x4000  }
0x9e: {  	[sflag:s9] =	ssyncset.done $0x0  }
0x9f: {  	[sflag:s9] =	ssyncadd.s32 $0xFFFFC000  }
0xa0: {  	[hbm4b:s6+s2] =	stream.linear.scatter [tilespmem:s8], [sflag:$0x2], $0x4000, $0x38;
	[tilespmem:$0x4200] =	vst v63  }
0xa1: {  	_ =	swait.ge [sflag:s3], $0x4000  }
0xa2: {  	[sflag:s3] =	ssyncset.done $0x0  }
0xa3: {  	[sflag:s3] =	ssyncadd.s32 $0xFFFFC000  }
0xa4: {  	_ =	sfence.sel $0x180000  }
0xa5: {  	[bflag:$0x0] =	sbarrier.arrive $0xFFFF  }
0xa6: {  	p0 =	sne.s32 s0, $0x0;
	_ =	strace $0x90000047  }
0xa7: {  	s0 =	sadd.s32 @!p0 $0x100000, s1;
	[bflag:$0x2] =	sbarrier.arrive $0xFFFF  }
0xa8: {  	[sflag:s0] =	ssyncadd.tile.s32 @!p0 $0x1;
	_ =	shalt  }
.Lfunc_end2:
_tile_overlayer_lowered:
.L_overlay_start_2:
0xa9: {  	(tag) =	ssettag $0x2  }
0xaa: {  	s0 =	rddreg [dreg:$0x0];
	s2 =	stileid.u32  }
0xab: {  	s1 =	rddreg [dreg:$0x1];
	p0 =	sne.s32 s2, $0x0  }
0xac: {  	s3 =	rddreg [dreg:$0x2];
	[bflag:$0x3] =	sbarrier.arrive $0xFFFF;
	s2 =	simm.s32 @!p0 $0x1C02  }
0xad: {  	[timem:s3], [sflag:s2] =	dma.local @!p0 [hbm:s0], s1  }
0xae: {  	s0 =	simm.s32 @!p0 $0x2  }
0xaf: {  	_ =	swait.ge @!p0 [sflag:s0], s1  }
0xb0: {  	s1 =	ssub.s32 @!p0 $0x0, s1;
	[sflag:s0] =	ssyncset.done @!p0 $0x0  }
0xb1: {  	[sflag:s0] =	ssyncadd.s32 @!p0 s1  }
0xb2: {  	[bflag:$0x3] =	sbarrier.arrive $0xFFFF  }
0xb3: {  	_ =	shalt  }

</sc_bundles>
